<compile_context>
chip_gen: v7x
topology: tpu7x:2x2x1
jax: 0.10.2.dev20260603
libtpu: 0.0.44.dev20260713+nightly
codegen_flags: <defaults>
</compile_context>

<pallas_src>
import functools

import jax
import jax.numpy as jnp
from jax import lax
from jax.experimental import pallas as pl
from jax.experimental.pallas import tpu as pltpu
from jax.experimental.pallas import tpu_sc as plsc

SEQ = 4096
D = 128
NC = 2
NS = 16
NW = NC * NS
BPW = SEQ // NW
L = 16
NCH = D // L


def _tree_sum(vs):
    while len(vs) > 1:
        vs = [a + b for a, b in zip(vs[::2], vs[1::2])]
    return vs[0]


def _rsqrt_newton(v):
    i = lax.bitcast_convert_type(v, jnp.int32)
    i = jnp.int32(0x5F3759DF) - lax.shift_right_logical(i, 1)
    y = lax.bitcast_convert_type(i, jnp.float32)
    y = y * (1.5 - (0.5 * v) * y * y)
    return y


def _lane_total(x, perms):
    for p in perms:
        x = x + x.at[p].get(mode="promise_in_bounds")
    return x


def _sc_embed(idx_hbm, table_hbm, pos_hbm, w_hbm, b_hbm, out_hbm,
              idx_v, rows_v, pos_v, out_v, w_v, b_v,
              sem_p, sem_g):
    wid = lax.axis_index("s") * NC + lax.axis_index("c")
    base = wid * BPW
    pltpu.sync_copy(idx_hbm.at[pl.ds(base, BPW)], idx_v)
    gather = pltpu.async_copy(table_hbm.at[idx_v], rows_v, sem_g)
    pos = pltpu.async_copy(pos_hbm.at[pl.ds(base, BPW)], pos_v, sem_p)
    pltpu.sync_copy(w_hbm, w_v)
    pltpu.sync_copy(b_hbm, b_v)
    pos.wait()
    gather.wait()

    w = [w_v[pl.ds(c * L, L)] for c in range(NCH)]
    b = [b_v[pl.ds(c * L, L)] for c in range(NCH)]
    iota = lax.iota(jnp.int32, L)
    perms = [iota ^ k for k in (1, 2, 4, 8)]

    @plsc.parallel_loop(0, BPW, unroll=1)
    def row(r):
        xs = [rows_v[r, pl.ds(c * L, L)] + pos_v[r, pl.ds(c * L, L)]
              for c in range(NCH)]
        s = _lane_total(_tree_sum(xs), perms)
        q = _lane_total(_tree_sum([x * x for x in xs]), perms)
        mean_v = s * (1.0 / D)
        var_v = q * (1.0 / D) - mean_v * mean_v
        inv_v = _rsqrt_newton(var_v + 1e-5)
        nm = -mean_v
        for c in range(NCH):
            iw = inv_v * w[c]
            out_v[r, pl.ds(c * L, L)] = (xs[c] + nm) * iw + b[c]

    pltpu.sync_copy(out_v, out_hbm.at[pl.ds(base, BPW)])


def kernel(token_ids, token_table, pos_table, ln_weight, ln_bias):
    mesh = plsc.VectorSubcoreMesh(core_axis_name="c", subcore_axis_name="s")
    embed = functools.partial(
        pl.kernel,
        mesh=mesh,
        out_type=jax.ShapeDtypeStruct((SEQ, D), jnp.float32),
        scratch_types=[
            pltpu.VMEM((BPW,), jnp.int32),
            pltpu.VMEM((BPW, D), jnp.float32),
            pltpu.VMEM((BPW, D), jnp.float32),
            pltpu.VMEM((BPW, D), jnp.float32),
            pltpu.VMEM((D,), jnp.float32),
            pltpu.VMEM((D,), jnp.float32),
            pltpu.SemaphoreType.DMA,
            pltpu.SemaphoreType.DMA,
        ],
    )(_sc_embed)
    return embed(token_ids.astype(jnp.int32), token_table, pos_table,
                 ln_weight, ln_bias)

# --- scband reference (transcript-rebuilt; emitter-appended) ---
"""Pipeline reference for scband-embedder-87505663689121 (READ-ONLY COPY).

The authoritative reference and input builder live on the scoring server;
editing this copy changes nothing except your own understanding.
"""

import jax, jax.numpy as jnp
import numpy as np

VOCAB = 100000
MAX_SEQ = 8192
SEQ = 4096
D = 128

def setup_inputs(seed: int = 0) -> dict:
    key = jax.random.key(seed)
    k1, k2, k3 = jax.random.split(key, 3)
    token_ids = jax.random.randint(k1, (SEQ,), 0, VOCAB, dtype=jnp.int64 if jax.config.jax_enable_x64 else jnp.int32)
    token_table = jax.random.normal(k2, (VOCAB, D), dtype=jnp.float32)
    pos_table = jax.random.normal(k3, (MAX_SEQ, D), dtype=jnp.float32)
    ln_weight = jnp.ones((D,), dtype=jnp.float32)
    ln_bias = jnp.zeros((D,), dtype=jnp.float32)
    return {"token_ids": token_ids, "token_table": token_table, "pos_table": pos_table, "ln_weight": ln_weight, "ln_bias": ln_bias}

def reference(token_ids, token_table, pos_table, ln_weight, ln_bias):
    # token embedding lookup (gather)
    tokens = jnp.take(token_table, token_ids, axis=0)          # [SEQ, D]
    # position embedding lookup (gather over arange)
    positions = jnp.take(pos_table, jnp.arange(token_ids.shape[0]), axis=0)  # [SEQ, D]
    x = tokens + positions
    # per-token LayerNorm (equinox default: eps=1e-5, elementwise affine)
    mean = jnp.mean(x, axis=-1, keepdims=True)
    var = jnp.var(x, axis=-1, keepdims=True)
    inv = jax.lax.rsqrt(var + 1e-5)
    y = (x - mean) * inv * ln_weight + ln_bias
    return y

if __name__ == "__main__":
    import jax
    _d = setup_inputs()
    print(jax.jit(kernel)(*tuple(_d.values())))

</pallas_src>

<mosaic_0001>
#map = affine_map<(d0, d1) -> (0)>
#map1 = affine_map<(d0, d1) -> (0, 0)>
module attributes {stable_mosaic.version = 14 : i64} {
  func.func @_sc_embed(%arg0: i32, %arg1: i32, %arg2: memref<4096xi32, #tpu.memory_space<hbm>>, %arg3: memref<100000x128xf32, #tpu.memory_space<hbm>>, %arg4: memref<8192x128xf32, #tpu.memory_space<hbm>>, %arg5: memref<128xf32, #tpu.memory_space<hbm>>, %arg6: memref<128xf32, #tpu.memory_space<hbm>>, %arg7: memref<4096x128xf32, #tpu.memory_space<hbm>>, %arg8: memref<128xi32, #tpu.memory_space<vmem>>, %arg9: memref<128x128xf32, #tpu.memory_space<vmem>>, %arg10: memref<128x128xf32, #tpu.memory_space<vmem>>, %arg11: memref<128x128xf32, #tpu.memory_space<vmem>>, %arg12: memref<128xf32, #tpu.memory_space<vmem>>, %arg13: memref<128xf32, #tpu.memory_space<vmem>>, %arg14: memref<!tpu.dma_semaphore, #tpu.memory_space<semaphore_mem>>, %arg15: memref<!tpu.dma_semaphore, #tpu.memory_space<semaphore_mem>>) attributes {dimension_semantics = [#tpu.dimension_semantics<core_parallel>, #tpu.dimension_semantics<subcore_parallel>], iteration_bounds = array<i64: 2, 16>, scalar_prefetch = 0 : i64, scratch_operands = 8 : i64, tpu.core_type = #tpu.core_type<sc_vector_subcore>, window_params = [{transform_indices = #map}, {transform_indices = #map1}, {transform_indices = #map1}, {transform_indices = #map}, {transform_indices = #map}, {transform_indices = #map1}]} {
    %mul3A = arith.constant 2 : i32
    %mul3A_0 = arith.muli %arg1, %mul3A : i32
    %add3A = arith.addi %mul3A_0, %arg0 : i32
    %mul3A_1 = arith.constant 128 : i32
    %mul3A_2 = arith.muli %add3A, %mul3A_1 : i32
    "tpu.region"() ({
      %run_scoped3A = tpu.sem_alloc : memref<!tpu.dma_semaphore, #tpu.memory_space<semaphore_mem>>
      %dma_start3A_75 = tpu.memref_slice %arg2[%mul3A_2] : memref<4096xi32, #tpu.memory_space<hbm>> -> memref<128xi32, #tpu.memory_space<hbm>>
      %dma_start3A_76 = tpu.memref_slice %arg2[%mul3A_2] : memref<4096xi32, #tpu.memory_space<hbm>> -> memref<128xi32, #tpu.memory_space<hbm>>
      tpu.enqueue_dma source(%dma_start3A_76 : memref<128xi32, #tpu.memory_space<hbm>>) target(%arg8 : memref<128xi32, #tpu.memory_space<vmem>>) target_semaphore(%run_scoped3A : memref<!tpu.dma_semaphore, #tpu.memory_space<semaphore_mem>>)
      %dma_wait3A_77 = tpu.memref_slice %arg2[%mul3A_2] : memref<4096xi32, #tpu.memory_space<hbm>> -> memref<128xi32, #tpu.memory_space<hbm>>
      %dma_wait3A_78 = tpu.memref_slice %arg2[%mul3A_2] : memref<4096xi32, #tpu.memory_space<hbm>> -> memref<128xi32, #tpu.memory_space<hbm>>
      tpu.wait_dma2 semaphore(%run_scoped3A : memref<!tpu.dma_semaphore, #tpu.memory_space<semaphore_mem>>) src(%dma_wait3A_78 : memref<128xi32, #tpu.memory_space<hbm>>) dst(%arg8 : memref<128xi32, #tpu.memory_space<vmem>>)
      tpu.yield
    }) : () -> ()
    %dma_start3A = arith.constant 0 : i32
    %dma_start3A_3 = arith.constant 0 : i32
    %dma_start3A_4 = tpu.memref_slice %arg3[%dma_start3A, %dma_start3A_3] : memref<100000x128xf32, #tpu.memory_space<hbm>> -> memref<100000x128xf32, #tpu.memory_space<hbm>>
    tpu.enqueue_indirect_dma source(%dma_start3A_4 : memref<100000x128xf32, #tpu.memory_space<hbm>>) target(%arg9 : memref<128x128xf32, #tpu.memory_space<vmem>>) offsets(%arg8 : memref<128xi32, #tpu.memory_space<vmem>>) semaphore(%arg15 : memref<!tpu.dma_semaphore, #tpu.memory_space<semaphore_mem>>)
    %dma_start3A_5 = arith.constant 0 : i32
    %dma_start3A_6 = tpu.memref_slice %arg4[%mul3A_2, %dma_start3A_5] : memref<8192x128xf32, #tpu.memory_space<hbm>> -> memref<128x128xf32, #tpu.memory_space<hbm>>
    %dma_start3A_7 = arith.constant 0 : i32
    %dma_start3A_8 = tpu.memref_slice %arg4[%mul3A_2, %dma_start3A_7] : memref<8192x128xf32, #tpu.memory_space<hbm>> -> memref<128x128xf32, #tpu.memory_space<hbm>>
    tpu.enqueue_dma source(%dma_start3A_8 : memref<128x128xf32, #tpu.memory_space<hbm>>) target(%arg10 : memref<128x128xf32, #tpu.memory_space<vmem>>) target_semaphore(%arg14 : memref<!tpu.dma_semaphore, #tpu.memory_space<semaphore_mem>>)
    "tpu.region"() ({
      %run_scoped3A = tpu.sem_alloc : memref<!tpu.dma_semaphore, #tpu.memory_space<semaphore_mem>>
      tpu.enqueue_dma source(%arg5 : memref<128xf32, #tpu.memory_space<hbm>>) target(%arg12 : memref<128xf32, #tpu.memory_space<vmem>>) target_semaphore(%run_scoped3A : memref<!tpu.dma_semaphore, #tpu.memory_space<semaphore_mem>>)
      tpu.wait_dma2 semaphore(%run_scoped3A : memref<!tpu.dma_semaphore, #tpu.memory_space<semaphore_mem>>) src(%arg5 : memref<128xf32, #tpu.memory_space<hbm>>) dst(%arg12 : memref<128xf32, #tpu.memory_space<vmem>>)
      tpu.yield
    }) : () -> ()
    "tpu.region"() ({
      %run_scoped3A = tpu.sem_alloc : memref<!tpu.dma_semaphore, #tpu.memory_space<semaphore_mem>>
      tpu.enqueue_dma source(%arg6 : memref<128xf32, #tpu.memory_space<hbm>>) target(%arg13 : memref<128xf32, #tpu.memory_space<vmem>>) target_semaphore(%run_scoped3A : memref<!tpu.dma_semaphore, #tpu.memory_space<semaphore_mem>>)
      tpu.wait_dma2 semaphore(%run_scoped3A : memref<!tpu.dma_semaphore, #tpu.memory_space<semaphore_mem>>) src(%arg6 : memref<128xf32, #tpu.memory_space<hbm>>) dst(%arg13 : memref<128xf32, #tpu.memory_space<vmem>>)
      tpu.yield
    }) : () -> ()
    %dma_wait3A = arith.constant 0 : i32
    %dma_wait3A_9 = tpu.memref_slice %arg4[%mul3A_2, %dma_wait3A] : memref<8192x128xf32, #tpu.memory_space<hbm>> -> memref<128x128xf32, #tpu.memory_space<hbm>>
    %dma_wait3A_10 = arith.constant 0 : i32
    %dma_wait3A_11 = tpu.memref_slice %arg4[%mul3A_2, %dma_wait3A_10] : memref<8192x128xf32, #tpu.memory_space<hbm>> -> memref<128x128xf32, #tpu.memory_space<hbm>>
    tpu.wait_dma2 semaphore(%arg14 : memref<!tpu.dma_semaphore, #tpu.memory_space<semaphore_mem>>) src(%dma_wait3A_11 : memref<128x128xf32, #tpu.memory_space<hbm>>) dst(%arg10 : memref<128x128xf32, #tpu.memory_space<vmem>>)
    %dma_wait3A_12 = arith.constant 0 : i32
    %dma_wait3A_13 = arith.constant 0 : i32
    %dma_wait3A_14 = tpu.memref_slice %arg3[%dma_wait3A_12, %dma_wait3A_13] : memref<100000x128xf32, #tpu.memory_space<hbm>> -> memref<100000x128xf32, #tpu.memory_space<hbm>>
    tpu.wait_indirect_dma semaphore(%arg15 : memref<!tpu.dma_semaphore, #tpu.memory_space<semaphore_mem>>) src(%dma_wait3A_14 : memref<100000x128xf32, #tpu.memory_space<hbm>>) dst(%arg9 : memref<128x128xf32, #tpu.memory_space<vmem>>)
    %get3A = arith.constant 0 : index
    %get3A_15 = tpu.vector_load %arg12[%get3A] {strides = array<i32>} : memref<128xf32, #tpu.memory_space<vmem>>, vector<16xf32>,
    %get3A_16 = vector.shape_cast %get3A_15 : vector<16xf32> to vector<16xf32>
    %get3A_17 = arith.constant 16 : index
    %get3A_18 = tpu.vector_load %arg12[%get3A_17] {strides = array<i32>} : memref<128xf32, #tpu.memory_space<vmem>>, vector<16xf32>,
    %get3A_19 = vector.shape_cast %get3A_18 : vector<16xf32> to vector<16xf32>
    %get3A_20 = arith.constant 32 : index
    %get3A_21 = tpu.vector_load %arg12[%get3A_20] {strides = array<i32>} : memref<128xf32, #tpu.memory_space<vmem>>, vector<16xf32>,
    %get3A_22 = vector.shape_cast %get3A_21 : vector<16xf32> to vector<16xf32>
    %get3A_23 = arith.constant 48 : index
    %get3A_24 = tpu.vector_load %arg12[%get3A_23] {strides = array<i32>} : memref<128xf32, #tpu.memory_space<vmem>>, vector<16xf32>,
    %get3A_25 = vector.shape_cast %get3A_24 : vector<16xf32> to vector<16xf32>
    %get3A_26 = arith.constant 64 : index
    %get3A_27 = tpu.vector_load %arg12[%get3A_26] {strides = array<i32>} : memref<128xf32, #tpu.memory_space<vmem>>, vector<16xf32>,
    %get3A_28 = vector.shape_cast %get3A_27 : vector<16xf32> to vector<16xf32>
    %get3A_29 = arith.constant 80 : index
    %get3A_30 = tpu.vector_load %arg12[%get3A_29] {strides = array<i32>} : memref<128xf32, #tpu.memory_space<vmem>>, vector<16xf32>,
    %get3A_31 = vector.shape_cast %get3A_30 : vector<16xf32> to vector<16xf32>
    %get3A_32 = arith.constant 96 : index
    %get3A_33 = tpu.vector_load %arg12[%get3A_32] {strides = array<i32>} : memref<128xf32, #tpu.memory_space<vmem>>, vector<16xf32>,
    %get3A_34 = vector.shape_cast %get3A_33 : vector<16xf32> to vector<16xf32>
    %get3A_35 = arith.constant 112 : index
    %get3A_36 = tpu.vector_load %arg12[%get3A_35] {strides = array<i32>} : memref<128xf32, #tpu.memory_space<vmem>>, vector<16xf32>,
    %get3A_37 = vector.shape_cast %get3A_36 : vector<16xf32> to vector<16xf32>
    %get3A_38 = arith.constant 0 : index
    %get3A_39 = tpu.vector_load %arg13[%get3A_38] {strides = array<i32>} : memref<128xf32, #tpu.memory_space<vmem>>, vector<16xf32>,
    %get3A_40 = vector.shape_cast %get3A_39 : vector<16xf32> to vector<16xf32>
    %get3A_41 = arith.constant 16 : index
    %get3A_42 = tpu.vector_load %arg13[%get3A_41] {strides = array<i32>} : memref<128xf32, #tpu.memory_space<vmem>>, vector<16xf32>,
    %get3A_43 = vector.shape_cast %get3A_42 : vector<16xf32> to vector<16xf32>
    %get3A_44 = arith.constant 32 : index
    %get3A_45 = tpu.vector_load %arg13[%get3A_44] {strides = array<i32>} : memref<128xf32, #tpu.memory_space<vmem>>, vector<16xf32>,
    %get3A_46 = vector.shape_cast %get3A_45 : vector<16xf32> to vector<16xf32>
    %get3A_47 = arith.constant 48 : index
    %get3A_48 = tpu.vector_load %arg13[%get3A_47] {strides = array<i32>} : memref<128xf32, #tpu.memory_space<vmem>>, vector<16xf32>,
    %get3A_49 = vector.shape_cast %get3A_48 : vector<16xf32> to vector<16xf32>
    %get3A_50 = arith.constant 64 : index
    %get3A_51 = tpu.vector_load %arg13[%get3A_50] {strides = array<i32>} : memref<128xf32, #tpu.memory_space<vmem>>, vector<16xf32>,
    %get3A_52 = vector.shape_cast %get3A_51 : vector<16xf32> to vector<16xf32>
    %get3A_53 = arith.constant 80 : index
    %get3A_54 = tpu.vector_load %arg13[%get3A_53] {strides = array<i32>} : memref<128xf32, #tpu.memory_space<vmem>>, vector<16xf32>,
    %get3A_55 = vector.shape_cast %get3A_54 : vector<16xf32> to vector<16xf32>
    %get3A_56 = arith.constant 96 : index
    %get3A_57 = tpu.vector_load %arg13[%get3A_56] {strides = array<i32>} : memref<128xf32, #tpu.memory_space<vmem>>, vector<16xf32>,
    %get3A_58 = vector.shape_cast %get3A_57 : vector<16xf32> to vector<16xf32>
    %get3A_59 = arith.constant 112 : index
    %get3A_60 = tpu.vector_load %arg13[%get3A_59] {strides = array<i32>} : memref<128xf32, #tpu.memory_space<vmem>>, vector<16xf32>,
    %get3A_61 = vector.shape_cast %get3A_60 : vector<16xf32> to vector<16xf32>
    %iota3A = tpu.iota {dimensions = array<i32: 0>} : vector<16xi32>
    %xor3A = arith.constant 1 : i32
    %xor3A_62 = vector.broadcast %xor3A : i32 to vector<16xi32>
    %xor3A_63 = arith.xori %iota3A, %xor3A_62 : vector<16xi32>
    %xor3A_64 = arith.constant 2 : i32
    %xor3A_65 = vector.broadcast %xor3A_64 : i32 to vector<16xi32>
    %xor3A_66 = arith.xori %iota3A, %xor3A_65 : vector<16xi32>
    %xor3A_67 = arith.constant 4 : i32
    %xor3A_68 = vector.broadcast %xor3A_67 : i32 to vector<16xi32>
    %xor3A_69 = arith.xori %iota3A, %xor3A_68 : vector<16xi32>
    %xor3A_70 = arith.constant 8 : i32
    %xor3A_71 = vector.broadcast %xor3A_70 : i32 to vector<16xi32>
    %xor3A_72 = arith.xori %iota3A, %xor3A_71 : vector<16xi32>
    %parallel_loop3A = arith.constant 0 : i32
    %parallel_loop3A_73 = arith.constant 128 : i32
    %parallel_loop3A_74 = arith.constant 1 : i32
    scf.for %parallel_loop3A_75 = %parallel_loop3A to %parallel_loop3A_73 step %parallel_loop3A_74  : i32 {
      %parallel_loop3A_76 = arith.index_cast %parallel_loop3A_75 : i32 to index
      %parallel_loop3A_77 = arith.constant 0 : index
      %parallel_loop3A_78 = tpu.vector_load %arg9[%parallel_loop3A_76, %parallel_loop3A_77] {strides = array<i32>} : memref<128x128xf32, #tpu.memory_space<vmem>>, vector<1x16xf32>,
      %parallel_loop3A_79 = vector.shape_cast %parallel_loop3A_78 : vector<1x16xf32> to vector<16xf32>
      %parallel_loop3A_80 = arith.index_cast %parallel_loop3A_75 : i32 to index
      %parallel_loop3A_81 = arith.constant 0 : index
      %parallel_loop3A_82 = tpu.vector_load %arg10[%parallel_loop3A_80, %parallel_loop3A_81] {strides = array<i32>} : memref<128x128xf32, #tpu.memory_space<vmem>>, vector<1x16xf32>,
      %parallel_loop3A_83 = vector.shape_cast %parallel_loop3A_82 : vector<1x16xf32> to vector<16xf32>
      %parallel_loop3A_84 = arith.addf %parallel_loop3A_79, %parallel_loop3A_83 : vector<16xf32>
      %parallel_loop3A_85 = arith.index_cast %parallel_loop3A_75 : i32 to index
      %parallel_loop3A_86 = arith.constant 16 : index
      %parallel_loop3A_87 = tpu.vector_load %arg9[%parallel_loop3A_85, %parallel_loop3A_86] {strides = array<i32>} : memref<128x128xf32, #tpu.memory_space<vmem>>, vector<1x16xf32>,
      %parallel_loop3A_88 = vector.shape_cast %parallel_loop3A_87 : vector<1x16xf32> to vector<16xf32>
      %parallel_loop3A_89 = arith.index_cast %parallel_loop3A_75 : i32 to index
      %parallel_loop3A_90 = arith.constant 16 : index
      %parallel_loop3A_91 = tpu.vector_load %arg10[%parallel_loop3A_89, %parallel_loop3A_90] {strides = array<i32>} : memref<128x128xf32, #tpu.memory_space<vmem>>, vector<1x16xf32>,
      %parallel_loop3A_92 = vector.shape_cast %parallel_loop3A_91 : vector<1x16xf32> to vector<16xf32>
      %parallel_loop3A_93 = arith.addf %parallel_loop3A_88, %parallel_loop3A_92 : vector<16xf32>
      %parallel_loop3A_94 = arith.index_cast %parallel_loop3A_75 : i32 to index
      %parallel_loop3A_95 = arith.constant 32 : index
      %parallel_loop3A_96 = tpu.vector_load %arg9[%parallel_loop3A_94, %parallel_loop3A_95] {strides = array<i32>} : memref<128x128xf32, #tpu.memory_space<vmem>>, vector<1x16xf32>,
      %parallel_loop3A_97 = vector.shape_cast %parallel_loop3A_96 : vector<1x16xf32> to vector<16xf32>
      %parallel_loop3A_98 = arith.index_cast %parallel_loop3A_75 : i32 to index
      %parallel_loop3A_99 = arith.constant 32 : index
      %parallel_loop3A_100 = tpu.vector_load %arg10[%parallel_loop3A_98, %parallel_loop3A_99] {strides = array<i32>} : memref<128x128xf32, #tpu.memory_space<vmem>>, vector<1x16xf32>,
      %parallel_loop3A_101 = vector.shape_cast %parallel_loop3A_100 : vector<1x16xf32> to vector<16xf32>
      %parallel_loop3A_102 = arith.addf %parallel_loop3A_97, %parallel_loop3A_101 : vector<16xf32>
      %parallel_loop3A_103 = arith.index_cast %parallel_loop3A_75 : i32 to index
      %parallel_loop3A_104 = arith.constant 48 : index
      %parallel_loop3A_105 = tpu.vector_load %arg9[%parallel_loop3A_103, %parallel_loop3A_104] {strides = array<i32>} : memref<128x128xf32, #tpu.memory_space<vmem>>, vector<1x16xf32>,
      %parallel_loop3A_106 = vector.shape_cast %parallel_loop3A_105 : vector<1x16xf32> to vector<16xf32>
      %parallel_loop3A_107 = arith.index_cast %parallel_loop3A_75 : i32 to index
      %parallel_loop3A_108 = arith.constant 48 : index
      %parallel_loop3A_109 = tpu.vector_load %arg10[%parallel_loop3A_107, %parallel_loop3A_108] {strides = array<i32>} : memref<128x128xf32, #tpu.memory_space<vmem>>, vector<1x16xf32>,
      %parallel_loop3A_110 = vector.shape_cast %parallel_loop3A_109 : vector<1x16xf32> to vector<16xf32>
      %parallel_loop3A_111 = arith.addf %parallel_loop3A_106, %parallel_loop3A_110 : vector<16xf32>
      %parallel_loop3A_112 = arith.index_cast %parallel_loop3A_75 : i32 to index
      %parallel_loop3A_113 = arith.constant 64 : index
      %parallel_loop3A_114 = tpu.vector_load %arg9[%parallel_loop3A_112, %parallel_loop3A_113] {strides = array<i32>} : memref<128x128xf32, #tpu.memory_space<vmem>>, vector<1x16xf32>,
      %parallel_loop3A_115 = vector.shape_cast %parallel_loop3A_114 : vector<1x16xf32> to vector<16xf32>
      %parallel_loop3A_116 = arith.index_cast %parallel_loop3A_75 : i32 to index
      %parallel_loop3A_117 = arith.constant 64 : index
      %parallel_loop3A_118 = tpu.vector_load %arg10[%parallel_loop3A_116, %parallel_loop3A_117] {strides = array<i32>} : memref<128x128xf32, #tpu.memory_space<vmem>>, vector<1x16xf32>,
      %parallel_loop3A_119 = vector.shape_cast %parallel_loop3A_118 : vector<1x16xf32> to vector<16xf32>
      %parallel_loop3A_120 = arith.addf %parallel_loop3A_115, %parallel_loop3A_119 : vector<16xf32>
      %parallel_loop3A_121 = arith.index_cast %parallel_loop3A_75 : i32 to index
      %parallel_loop3A_122 = arith.constant 80 : index
      %parallel_loop3A_123 = tpu.vector_load %arg9[%parallel_loop3A_121, %parallel_loop3A_122] {strides = array<i32>} : memref<128x128xf32, #tpu.memory_space<vmem>>, vector<1x16xf32>,
      %parallel_loop3A_124 = vector.shape_cast %parallel_loop3A_123 : vector<1x16xf32> to vector<16xf32>
      %parallel_loop3A_125 = arith.index_cast %parallel_loop3A_75 : i32 to index
      %parallel_loop3A_126 = arith.constant 80 : index
      %parallel_loop3A_127 = tpu.vector_load %arg10[%parallel_loop3A_125, %parallel_loop3A_126] {strides = array<i32>} : memref<128x128xf32, #tpu.memory_space<vmem>>, vector<1x16xf32>,
      %parallel_loop3A_128 = vector.shape_cast %parallel_loop3A_127 : vector<1x16xf32> to vector<16xf32>
      %parallel_loop3A_129 = arith.addf %parallel_loop3A_124, %parallel_loop3A_128 : vector<16xf32>
      %parallel_loop3A_130 = arith.index_cast %parallel_loop3A_75 : i32 to index
      %parallel_loop3A_131 = arith.constant 96 : index
      %parallel_loop3A_132 = tpu.vector_load %arg9[%parallel_loop3A_130, %parallel_loop3A_131] {strides = array<i32>} : memref<128x128xf32, #tpu.memory_space<vmem>>, vector<1x16xf32>,
      %parallel_loop3A_133 = vector.shape_cast %parallel_loop3A_132 : vector<1x16xf32> to vector<16xf32>
      %parallel_loop3A_134 = arith.index_cast %parallel_loop3A_75 : i32 to index
      %parallel_loop3A_135 = arith.constant 96 : index
      %parallel_loop3A_136 = tpu.vector_load %arg10[%parallel_loop3A_134, %parallel_loop3A_135] {strides = array<i32>} : memref<128x128xf32, #tpu.memory_space<vmem>>, vector<1x16xf32>,
      %parallel_loop3A_137 = vector.shape_cast %parallel_loop3A_136 : vector<1x16xf32> to vector<16xf32>
      %parallel_loop3A_138 = arith.addf %parallel_loop3A_133, %parallel_loop3A_137 : vector<16xf32>
      %parallel_loop3A_139 = arith.index_cast %parallel_loop3A_75 : i32 to index
      %parallel_loop3A_140 = arith.constant 112 : index
      %parallel_loop3A_141 = tpu.vector_load %arg9[%parallel_loop3A_139, %parallel_loop3A_140] {strides = array<i32>} : memref<128x128xf32, #tpu.memory_space<vmem>>, vector<1x16xf32>,
      %parallel_loop3A_142 = vector.shape_cast %parallel_loop3A_141 : vector<1x16xf32> to vector<16xf32>
      %parallel_loop3A_143 = arith.index_cast %parallel_loop3A_75 : i32 to index
      %parallel_loop3A_144 = arith.constant 112 : index
      %parallel_loop3A_145 = tpu.vector_load %arg10[%parallel_loop3A_143, %parallel_loop3A_144] {strides = array<i32>} : memref<128x128xf32, #tpu.memory_space<vmem>>, vector<1x16xf32>,
      %parallel_loop3A_146 = vector.shape_cast %parallel_loop3A_145 : vector<1x16xf32> to vector<16xf32>
      %parallel_loop3A_147 = arith.addf %parallel_loop3A_142, %parallel_loop3A_146 : vector<16xf32>
      %parallel_loop3A_148 = arith.addf %parallel_loop3A_84, %parallel_loop3A_93 : vector<16xf32>
      %parallel_loop3A_149 = arith.addf %parallel_loop3A_102, %parallel_loop3A_111 : vector<16xf32>
      %parallel_loop3A_150 = arith.addf %parallel_loop3A_120, %parallel_loop3A_129 : vector<16xf32>
      %parallel_loop3A_151 = arith.addf %parallel_loop3A_138, %parallel_loop3A_147 : vector<16xf32>
      %parallel_loop3A_152 = arith.addf %parallel_loop3A_148, %parallel_loop3A_149 : vector<16xf32>
      %parallel_loop3A_153 = arith.addf %parallel_loop3A_150, %parallel_loop3A_151 : vector<16xf32>
      %parallel_loop3A_154 = arith.addf %parallel_loop3A_152, %parallel_loop3A_153 : vector<16xf32>
      %parallel_loop3A_155 = arith.constant 0 : i32
      %parallel_loop3A_156 = vector.broadcast %parallel_loop3A_155 : i32 to vector<16xi32>
      %parallel_loop3A_157 = arith.cmpi slt, %xor3A_63, %parallel_loop3A_156 : vector<16xi32>
      %parallel_loop3A_158 = arith.constant 16 : i32
      %parallel_loop3A_159 = vector.broadcast %parallel_loop3A_158 : i32 to vector<16xi32>
      %parallel_loop3A_160 = arith.addi %xor3A_63, %parallel_loop3A_159 : vector<16xi32>
      %parallel_loop3A_161 = arith.select %parallel_loop3A_157, %parallel_loop3A_160, %xor3A_63 : vector<16xi1>, vector<16xi32>
      %parallel_loop3A_162 = vector.shape_cast %parallel_loop3A_161 : vector<16xi32> to vector<16x1xi32>
      %parallel_loop3A_163 = vector.shape_cast %parallel_loop3A_162 : vector<16x1xi32> to vector<16xi32>
      %parallel_loop3A_164 = tpu.dynamic_gather %parallel_loop3A_154[%parallel_loop3A_163] in [0] : vector<16xf32>, vector<16xi32> -> vector<16xf32>
      %parallel_loop3A_165 = arith.addf %parallel_loop3A_154, %parallel_loop3A_164 : vector<16xf32>
      %parallel_loop3A_166 = arith.constant 0 : i32
      %parallel_loop3A_167 = vector.broadcast %parallel_loop3A_166 : i32 to vector<16xi32>
      %parallel_loop3A_168 = arith.cmpi slt, %xor3A_66, %parallel_loop3A_167 : vector<16xi32>
      %parallel_loop3A_169 = arith.constant 16 : i32
      %parallel_loop3A_170 = vector.broadcast %parallel_loop3A_169 : i32 to vector<16xi32>
      %parallel_loop3A_171 = arith.addi %xor3A_66, %parallel_loop3A_170 : vector<16xi32>
      %parallel_loop3A_172 = arith.select %parallel_loop3A_168, %parallel_loop3A_171, %xor3A_66 : vector<16xi1>, vector<16xi32>
      %parallel_loop3A_173 = vector.shape_cast %parallel_loop3A_172 : vector<16xi32> to vector<16x1xi32>
      %parallel_loop3A_174 = vector.shape_cast %parallel_loop3A_173 : vector<16x1xi32> to vector<16xi32>
      %parallel_loop3A_175 = tpu.dynamic_gather %parallel_loop3A_165[%parallel_loop3A_174] in [0] : vector<16xf32>, vector<16xi32> -> vector<16xf32>
      %parallel_loop3A_176 = arith.addf %parallel_loop3A_165, %parallel_loop3A_175 : vector<16xf32>
      %parallel_loop3A_177 = arith.constant 0 : i32
      %parallel_loop3A_178 = vector.broadcast %parallel_loop3A_177 : i32 to vector<16xi32>
      %parallel_loop3A_179 = arith.cmpi slt, %xor3A_69, %parallel_loop3A_178 : vector<16xi32>
      %parallel_loop3A_180 = arith.constant 16 : i32
      %parallel_loop3A_181 = vector.broadcast %parallel_loop3A_180 : i32 to vector<16xi32>
      %parallel_loop3A_182 = arith.addi %xor3A_69, %parallel_loop3A_181 : vector<16xi32>
      %parallel_loop3A_183 = arith.select %parallel_loop3A_179, %parallel_loop3A_182, %xor3A_69 : vector<16xi1>, vector<16xi32>
      %parallel_loop3A_184 = vector.shape_cast %parallel_loop3A_183 : vector<16xi32> to vector<16x1xi32>
      %parallel_loop3A_185 = vector.shape_cast %parallel_loop3A_184 : vector<16x1xi32> to vector<16xi32>
      %parallel_loop3A_186 = tpu.dynamic_gather %parallel_loop3A_176[%parallel_loop3A_185] in [0] : vector<16xf32>, vector<16xi32> -> vector<16xf32>
      %parallel_loop3A_187 = arith.addf %parallel_loop3A_176, %parallel_loop3A_186 : vector<16xf32>
      %parallel_loop3A_188 = arith.constant 0 : i32
      %parallel_loop3A_189 = vector.broadcast %parallel_loop3A_188 : i32 to vector<16xi32>
      %parallel_loop3A_190 = arith.cmpi slt, %xor3A_72, %parallel_loop3A_189 : vector<16xi32>
      %parallel_loop3A_191 = arith.constant 16 : i32
      %parallel_loop3A_192 = vector.broadcast %parallel_loop3A_191 : i32 to vector<16xi32>
      %parallel_loop3A_193 = arith.addi %xor3A_72, %parallel_loop3A_192 : vector<16xi32>
      %parallel_loop3A_194 = arith.select %parallel_loop3A_190, %parallel_loop3A_193, %xor3A_72 : vector<16xi1>, vector<16xi32>
      %parallel_loop3A_195 = vector.shape_cast %parallel_loop3A_194 : vector<16xi32> to vector<16x1xi32>
      %parallel_loop3A_196 = vector.shape_cast %parallel_loop3A_195 : vector<16x1xi32> to vector<16xi32>
      %parallel_loop3A_197 = tpu.dynamic_gather %parallel_loop3A_187[%parallel_loop3A_196] in [0] : vector<16xf32>, vector<16xi32> -> vector<16xf32>
      %parallel_loop3A_198 = arith.addf %parallel_loop3A_187, %parallel_loop3A_197 : vector<16xf32>
      %parallel_loop3A_199 = arith.mulf %parallel_loop3A_84, %parallel_loop3A_84 : vector<16xf32>
      %parallel_loop3A_200 = arith.mulf %parallel_loop3A_93, %parallel_loop3A_93 : vector<16xf32>
      %parallel_loop3A_201 = arith.mulf %parallel_loop3A_102, %parallel_loop3A_102 : vector<16xf32>
      %parallel_loop3A_202 = arith.mulf %parallel_loop3A_111, %parallel_loop3A_111 : vector<16xf32>
      %parallel_loop3A_203 = arith.mulf %parallel_loop3A_120, %parallel_loop3A_120 : vector<16xf32>
      %parallel_loop3A_204 = arith.mulf %parallel_loop3A_129, %parallel_loop3A_129 : vector<16xf32>
      %parallel_loop3A_205 = arith.mulf %parallel_loop3A_138, %parallel_loop3A_138 : vector<16xf32>
      %parallel_loop3A_206 = arith.mulf %parallel_loop3A_147, %parallel_loop3A_147 : vector<16xf32>
      %parallel_loop3A_207 = arith.addf %parallel_loop3A_199, %parallel_loop3A_200 : vector<16xf32>
      %parallel_loop3A_208 = arith.addf %parallel_loop3A_201, %parallel_loop3A_202 : vector<16xf32>
      %parallel_loop3A_209 = arith.addf %parallel_loop3A_203, %parallel_loop3A_204 : vector<16xf32>
      %parallel_loop3A_210 = arith.addf %parallel_loop3A_205, %parallel_loop3A_206 : vector<16xf32>
      %parallel_loop3A_211 = arith.addf %parallel_loop3A_207, %parallel_loop3A_208 : vector<16xf32>
      %parallel_loop3A_212 = arith.addf %parallel_loop3A_209, %parallel_loop3A_210 : vector<16xf32>
      %parallel_loop3A_213 = arith.addf %parallel_loop3A_211, %parallel_loop3A_212 : vector<16xf32>
      %parallel_loop3A_214 = arith.constant 0 : i32
      %parallel_loop3A_215 = vector.broadcast %parallel_loop3A_214 : i32 to vector<16xi32>
      %parallel_loop3A_216 = arith.cmpi slt, %xor3A_63, %parallel_loop3A_215 : vector<16xi32>
      %parallel_loop3A_217 = arith.constant 16 : i32
      %parallel_loop3A_218 = vector.broadcast %parallel_loop3A_217 : i32 to vector<16xi32>
      %parallel_loop3A_219 = arith.addi %xor3A_63, %parallel_loop3A_218 : vector<16xi32>
      %parallel_loop3A_220 = arith.select %parallel_loop3A_216, %parallel_loop3A_219, %xor3A_63 : vector<16xi1>, vector<16xi32>
      %parallel_loop3A_221 = vector.shape_cast %parallel_loop3A_220 : vector<16xi32> to vector<16x1xi32>
      %parallel_loop3A_222 = vector.shape_cast %parallel_loop3A_221 : vector<16x1xi32> to vector<16xi32>
      %parallel_loop3A_223 = tpu.dynamic_gather %parallel_loop3A_213[%parallel_loop3A_222] in [0] : vector<16xf32>, vector<16xi32> -> vector<16xf32>
      %parallel_loop3A_224 = arith.addf %parallel_loop3A_213, %parallel_loop3A_223 : vector<16xf32>
      %parallel_loop3A_225 = arith.constant 0 : i32
      %parallel_loop3A_226 = vector.broadcast %parallel_loop3A_225 : i32 to vector<16xi32>
      %parallel_loop3A_227 = arith.cmpi slt, %xor3A_66, %parallel_loop3A_226 : vector<16xi32>
      %parallel_loop3A_228 = arith.constant 16 : i32
      %parallel_loop3A_229 = vector.broadcast %parallel_loop3A_228 : i32 to vector<16xi32>
      %parallel_loop3A_230 = arith.addi %xor3A_66, %parallel_loop3A_229 : vector<16xi32>
      %parallel_loop3A_231 = arith.select %parallel_loop3A_227, %parallel_loop3A_230, %xor3A_66 : vector<16xi1>, vector<16xi32>
      %parallel_loop3A_232 = vector.shape_cast %parallel_loop3A_231 : vector<16xi32> to vector<16x1xi32>
      %parallel_loop3A_233 = vector.shape_cast %parallel_loop3A_232 : vector<16x1xi32> to vector<16xi32>
      %parallel_loop3A_234 = tpu.dynamic_gather %parallel_loop3A_224[%parallel_loop3A_233] in [0] : vector<16xf32>, vector<16xi32> -> vector<16xf32>
      %parallel_loop3A_235 = arith.addf %parallel_loop3A_224, %parallel_loop3A_234 : vector<16xf32>
      %parallel_loop3A_236 = arith.constant 0 : i32
      %parallel_loop3A_237 = vector.broadcast %parallel_loop3A_236 : i32 to vector<16xi32>
      %parallel_loop3A_238 = arith.cmpi slt, %xor3A_69, %parallel_loop3A_237 : vector<16xi32>
      %parallel_loop3A_239 = arith.constant 16 : i32
      %parallel_loop3A_240 = vector.broadcast %parallel_loop3A_239 : i32 to vector<16xi32>
      %parallel_loop3A_241 = arith.addi %xor3A_69, %parallel_loop3A_240 : vector<16xi32>
      %parallel_loop3A_242 = arith.select %parallel_loop3A_238, %parallel_loop3A_241, %xor3A_69 : vector<16xi1>, vector<16xi32>
      %parallel_loop3A_243 = vector.shape_cast %parallel_loop3A_242 : vector<16xi32> to vector<16x1xi32>
      %parallel_loop3A_244 = vector.shape_cast %parallel_loop3A_243 : vector<16x1xi32> to vector<16xi32>
      %parallel_loop3A_245 = tpu.dynamic_gather %parallel_loop3A_235[%parallel_loop3A_244] in [0] : vector<16xf32>, vector<16xi32> -> vector<16xf32>
      %parallel_loop3A_246 = arith.addf %parallel_loop3A_235, %parallel_loop3A_245 : vector<16xf32>
      %parallel_loop3A_247 = arith.constant 0 : i32
      %parallel_loop3A_248 = vector.broadcast %parallel_loop3A_247 : i32 to vector<16xi32>
      %parallel_loop3A_249 = arith.cmpi slt, %xor3A_72, %parallel_loop3A_248 : vector<16xi32>
      %parallel_loop3A_250 = arith.constant 16 : i32
      %parallel_loop3A_251 = vector.broadcast %parallel_loop3A_250 : i32 to vector<16xi32>
      %parallel_loop3A_252 = arith.addi %xor3A_72, %parallel_loop3A_251 : vector<16xi32>
      %parallel_loop3A_253 = arith.select %parallel_loop3A_249, %parallel_loop3A_252, %xor3A_72 : vector<16xi1>, vector<16xi32>
      %parallel_loop3A_254 = vector.shape_cast %parallel_loop3A_253 : vector<16xi32> to vector<16x1xi32>
      %parallel_loop3A_255 = vector.shape_cast %parallel_loop3A_254 : vector<16x1xi32> to vector<16xi32>
      %parallel_loop3A_256 = tpu.dynamic_gather %parallel_loop3A_246[%parallel_loop3A_255] in [0] : vector<16xf32>, vector<16xi32> -> vector<16xf32>
      %parallel_loop3A_257 = arith.addf %parallel_loop3A_246, %parallel_loop3A_256 : vector<16xf32>
      %parallel_loop3A_258 = arith.constant 7.812500e-03 : f32
      %parallel_loop3A_259 = vector.broadcast %parallel_loop3A_258 : f32 to vector<16xf32>
      %parallel_loop3A_260 = arith.mulf %parallel_loop3A_198, %parallel_loop3A_259 : vector<16xf32>
      %parallel_loop3A_261 = arith.constant 7.812500e-03 : f32
      %parallel_loop3A_262 = vector.broadcast %parallel_loop3A_261 : f32 to vector<16xf32>
      %parallel_loop3A_263 = arith.mulf %parallel_loop3A_257, %parallel_loop3A_262 : vector<16xf32>
      %parallel_loop3A_264 = arith.mulf %parallel_loop3A_260, %parallel_loop3A_260 : vector<16xf32>
      %parallel_loop3A_265 = arith.subf %parallel_loop3A_263, %parallel_loop3A_264 : vector<16xf32>
      %parallel_loop3A_266 = arith.constant 9.99999974E-6 : f32
      %parallel_loop3A_267 = vector.broadcast %parallel_loop3A_266 : f32 to vector<16xf32>
      %parallel_loop3A_268 = arith.addf %parallel_loop3A_265, %parallel_loop3A_267 : vector<16xf32>
      %parallel_loop3A_269 = tpu.bitcast %parallel_loop3A_268 : vector<16xf32> -> vector<16xi32>
      %parallel_loop3A_270 = arith.constant 1 : i32
      %parallel_loop3A_271 = vector.broadcast %parallel_loop3A_270 : i32 to vector<16xi32>
      %parallel_loop3A_272 = arith.shrui %parallel_loop3A_269, %parallel_loop3A_271 : vector<16xi32>
      %parallel_loop3A_273 = arith.constant 1597463007 : i32
      %parallel_loop3A_274 = vector.broadcast %parallel_loop3A_273 : i32 to vector<16xi32>
      %parallel_loop3A_275 = arith.subi %parallel_loop3A_274, %parallel_loop3A_272 : vector<16xi32>
      %parallel_loop3A_276 = tpu.bitcast %parallel_loop3A_275 : vector<16xi32> -> vector<16xf32>
      %parallel_loop3A_277 = arith.constant 5.000000e-01 : f32
      %parallel_loop3A_278 = vector.broadcast %parallel_loop3A_277 : f32 to vector<16xf32>
      %parallel_loop3A_279 = arith.mulf %parallel_loop3A_278, %parallel_loop3A_268 : vector<16xf32>
      %parallel_loop3A_280 = arith.mulf %parallel_loop3A_279, %parallel_loop3A_276 : vector<16xf32>
      %parallel_loop3A_281 = arith.mulf %parallel_loop3A_280, %parallel_loop3A_276 : vector<16xf32>
      %parallel_loop3A_282 = arith.constant 1.500000e+00 : f32
      %parallel_loop3A_283 = vector.broadcast %parallel_loop3A_282 : f32 to vector<16xf32>
      %parallel_loop3A_284 = arith.subf %parallel_loop3A_283, %parallel_loop3A_281 : vector<16xf32>
      %parallel_loop3A_285 = arith.mulf %parallel_loop3A_276, %parallel_loop3A_284 : vector<16xf32>
      %parallel_loop3A_286 = arith.constant 0.000000e+00 : f32
      %parallel_loop3A_287 = vector.broadcast %parallel_loop3A_286 : f32 to vector<16xf32>
      %parallel_loop3A_288 = arith.subf %parallel_loop3A_287, %parallel_loop3A_260 : vector<16xf32>
      %parallel_loop3A_289 = arith.mulf %parallel_loop3A_285, %get3A_16 : vector<16xf32>
      %parallel_loop3A_290 = arith.addf %parallel_loop3A_84, %parallel_loop3A_288 : vector<16xf32>
      %parallel_loop3A_291 = arith.mulf %parallel_loop3A_290, %parallel_loop3A_289 : vector<16xf32>
      %parallel_loop3A_292 = arith.addf %parallel_loop3A_291, %get3A_40 : vector<16xf32>
      %parallel_loop3A_293 = arith.index_cast %parallel_loop3A_75 : i32 to index
      %parallel_loop3A_294 = arith.constant 0 : index
      %parallel_loop3A_295 = tpu.vector_load %arg11[%parallel_loop3A_293, %parallel_loop3A_294] {strides = array<i32>} : memref<128x128xf32, #tpu.memory_space<vmem>>, vector<1x16xf32>,
      %parallel_loop3A_296 = vector.shape_cast %parallel_loop3A_295 : vector<1x16xf32> to vector<16xf32>
      %parallel_loop3A_297 = vector.shape_cast %parallel_loop3A_292 : vector<16xf32> to vector<1x16xf32>
      tpu.vector_store %arg11[%parallel_loop3A_293, %parallel_loop3A_294], %parallel_loop3A_297 {strides = array<i32>} : memref<128x128xf32, #tpu.memory_space<vmem>>, vector<1x16xf32>,
      %parallel_loop3A_298 = arith.mulf %parallel_loop3A_285, %get3A_19 : vector<16xf32>
      %parallel_loop3A_299 = arith.addf %parallel_loop3A_93, %parallel_loop3A_288 : vector<16xf32>
      %parallel_loop3A_300 = arith.mulf %parallel_loop3A_299, %parallel_loop3A_298 : vector<16xf32>
      %parallel_loop3A_301 = arith.addf %parallel_loop3A_300, %get3A_43 : vector<16xf32>
      %parallel_loop3A_302 = arith.index_cast %parallel_loop3A_75 : i32 to index
      %parallel_loop3A_303 = arith.constant 16 : index
      %parallel_loop3A_304 = tpu.vector_load %arg11[%parallel_loop3A_302, %parallel_loop3A_303] {strides = array<i32>} : memref<128x128xf32, #tpu.memory_space<vmem>>, vector<1x16xf32>,
      %parallel_loop3A_305 = vector.shape_cast %parallel_loop3A_304 : vector<1x16xf32> to vector<16xf32>
      %parallel_loop3A_306 = vector.shape_cast %parallel_loop3A_301 : vector<16xf32> to vector<1x16xf32>
      tpu.vector_store %arg11[%parallel_loop3A_302, %parallel_loop3A_303], %parallel_loop3A_306 {strides = array<i32>} : memref<128x128xf32, #tpu.memory_space<vmem>>, vector<1x16xf32>,
      %parallel_loop3A_307 = arith.mulf %parallel_loop3A_285, %get3A_22 : vector<16xf32>
      %parallel_loop3A_308 = arith.addf %parallel_loop3A_102, %parallel_loop3A_288 : vector<16xf32>
      %parallel_loop3A_309 = arith.mulf %parallel_loop3A_308, %parallel_loop3A_307 : vector<16xf32>
      %parallel_loop3A_310 = arith.addf %parallel_loop3A_309, %get3A_46 : vector<16xf32>
      %parallel_loop3A_311 = arith.index_cast %parallel_loop3A_75 : i32 to index
      %parallel_loop3A_312 = arith.constant 32 : index
      %parallel_loop3A_313 = tpu.vector_load %arg11[%parallel_loop3A_311, %parallel_loop3A_312] {strides = array<i32>} : memref<128x128xf32, #tpu.memory_space<vmem>>, vector<1x16xf32>,
      %parallel_loop3A_314 = vector.shape_cast %parallel_loop3A_313 : vector<1x16xf32> to vector<16xf32>
      %parallel_loop3A_315 = vector.shape_cast %parallel_loop3A_310 : vector<16xf32> to vector<1x16xf32>
      tpu.vector_store %arg11[%parallel_loop3A_311, %parallel_loop3A_312], %parallel_loop3A_315 {strides = array<i32>} : memref<128x128xf32, #tpu.memory_space<vmem>>, vector<1x16xf32>,
      %parallel_loop3A_316 = arith.mulf %parallel_loop3A_285, %get3A_25 : vector<16xf32>
      %parallel_loop3A_317 = arith.addf %parallel_loop3A_111, %parallel_loop3A_288 : vector<16xf32>
      %parallel_loop3A_318 = arith.mulf %parallel_loop3A_317, %parallel_loop3A_316 : vector<16xf32>
      %parallel_loop3A_319 = arith.addf %parallel_loop3A_318, %get3A_49 : vector<16xf32>
      %parallel_loop3A_320 = arith.index_cast %parallel_loop3A_75 : i32 to index
      %parallel_loop3A_321 = arith.constant 48 : index
      %parallel_loop3A_322 = tpu.vector_load %arg11[%parallel_loop3A_320, %parallel_loop3A_321] {strides = array<i32>} : memref<128x128xf32, #tpu.memory_space<vmem>>, vector<1x16xf32>,
      %parallel_loop3A_323 = vector.shape_cast %parallel_loop3A_322 : vector<1x16xf32> to vector<16xf32>
      %parallel_loop3A_324 = vector.shape_cast %parallel_loop3A_319 : vector<16xf32> to vector<1x16xf32>
      tpu.vector_store %arg11[%parallel_loop3A_320, %parallel_loop3A_321], %parallel_loop3A_324 {strides = array<i32>} : memref<128x128xf32, #tpu.memory_space<vmem>>, vector<1x16xf32>,
      %parallel_loop3A_325 = arith.mulf %parallel_loop3A_285, %get3A_28 : vector<16xf32>
      %parallel_loop3A_326 = arith.addf %parallel_loop3A_120, %parallel_loop3A_288 : vector<16xf32>
      %parallel_loop3A_327 = arith.mulf %parallel_loop3A_326, %parallel_loop3A_325 : vector<16xf32>
      %parallel_loop3A_328 = arith.addf %parallel_loop3A_327, %get3A_52 : vector<16xf32>
      %parallel_loop3A_329 = arith.index_cast %parallel_loop3A_75 : i32 to index
      %parallel_loop3A_330 = arith.constant 64 : index
      %parallel_loop3A_331 = tpu.vector_load %arg11[%parallel_loop3A_329, %parallel_loop3A_330] {strides = array<i32>} : memref<128x128xf32, #tpu.memory_space<vmem>>, vector<1x16xf32>,
      %parallel_loop3A_332 = vector.shape_cast %parallel_loop3A_331 : vector<1x16xf32> to vector<16xf32>
      %parallel_loop3A_333 = vector.shape_cast %parallel_loop3A_328 : vector<16xf32> to vector<1x16xf32>
      tpu.vector_store %arg11[%parallel_loop3A_329, %parallel_loop3A_330], %parallel_loop3A_333 {strides = array<i32>} : memref<128x128xf32, #tpu.memory_space<vmem>>, vector<1x16xf32>,
      %parallel_loop3A_334 = arith.mulf %parallel_loop3A_285, %get3A_31 : vector<16xf32>
      %parallel_loop3A_335 = arith.addf %parallel_loop3A_129, %parallel_loop3A_288 : vector<16xf32>
      %parallel_loop3A_336 = arith.mulf %parallel_loop3A_335, %parallel_loop3A_334 : vector<16xf32>
      %parallel_loop3A_337 = arith.addf %parallel_loop3A_336, %get3A_55 : vector<16xf32>
      %parallel_loop3A_338 = arith.index_cast %parallel_loop3A_75 : i32 to index
      %parallel_loop3A_339 = arith.constant 80 : index
      %parallel_loop3A_340 = tpu.vector_load %arg11[%parallel_loop3A_338, %parallel_loop3A_339] {strides = array<i32>} : memref<128x128xf32, #tpu.memory_space<vmem>>, vector<1x16xf32>,
      %parallel_loop3A_341 = vector.shape_cast %parallel_loop3A_340 : vector<1x16xf32> to vector<16xf32>
      %parallel_loop3A_342 = vector.shape_cast %parallel_loop3A_337 : vector<16xf32> to vector<1x16xf32>
      tpu.vector_store %arg11[%parallel_loop3A_338, %parallel_loop3A_339], %parallel_loop3A_342 {strides = array<i32>} : memref<128x128xf32, #tpu.memory_space<vmem>>, vector<1x16xf32>,
      %parallel_loop3A_343 = arith.mulf %parallel_loop3A_285, %get3A_34 : vector<16xf32>
      %parallel_loop3A_344 = arith.addf %parallel_loop3A_138, %parallel_loop3A_288 : vector<16xf32>
      %parallel_loop3A_345 = arith.mulf %parallel_loop3A_344, %parallel_loop3A_343 : vector<16xf32>
      %parallel_loop3A_346 = arith.addf %parallel_loop3A_345, %get3A_58 : vector<16xf32>
      %parallel_loop3A_347 = arith.index_cast %parallel_loop3A_75 : i32 to index
      %parallel_loop3A_348 = arith.constant 96 : index
      %parallel_loop3A_349 = tpu.vector_load %arg11[%parallel_loop3A_347, %parallel_loop3A_348] {strides = array<i32>} : memref<128x128xf32, #tpu.memory_space<vmem>>, vector<1x16xf32>,
      %parallel_loop3A_350 = vector.shape_cast %parallel_loop3A_349 : vector<1x16xf32> to vector<16xf32>
      %parallel_loop3A_351 = vector.shape_cast %parallel_loop3A_346 : vector<16xf32> to vector<1x16xf32>
      tpu.vector_store %arg11[%parallel_loop3A_347, %parallel_loop3A_348], %parallel_loop3A_351 {strides = array<i32>} : memref<128x128xf32, #tpu.memory_space<vmem>>, vector<1x16xf32>,
      %parallel_loop3A_352 = arith.mulf %parallel_loop3A_285, %get3A_37 : vector<16xf32>
      %parallel_loop3A_353 = arith.addf %parallel_loop3A_147, %parallel_loop3A_288 : vector<16xf32>
      %parallel_loop3A_354 = arith.mulf %parallel_loop3A_353, %parallel_loop3A_352 : vector<16xf32>
      %parallel_loop3A_355 = arith.addf %parallel_loop3A_354, %get3A_61 : vector<16xf32>
      %parallel_loop3A_356 = arith.index_cast %parallel_loop3A_75 : i32 to index
      %parallel_loop3A_357 = arith.constant 112 : index
      %parallel_loop3A_358 = tpu.vector_load %arg11[%parallel_loop3A_356, %parallel_loop3A_357] {strides = array<i32>} : memref<128x128xf32, #tpu.memory_space<vmem>>, vector<1x16xf32>,
      %parallel_loop3A_359 = vector.shape_cast %parallel_loop3A_358 : vector<1x16xf32> to vector<16xf32>
      %parallel_loop3A_360 = vector.shape_cast %parallel_loop3A_355 : vector<16xf32> to vector<1x16xf32>
      tpu.vector_store %arg11[%parallel_loop3A_356, %parallel_loop3A_357], %parallel_loop3A_360 {strides = array<i32>} : memref<128x128xf32, #tpu.memory_space<vmem>>, vector<1x16xf32>,
    } {sc.loop_unroll_factor = 1 : i64, sc.parallel_access}
    "tpu.region"() ({
      %run_scoped3A = tpu.sem_alloc : memref<!tpu.dma_semaphore, #tpu.memory_space<semaphore_mem>>
      %dma_start3A_75 = arith.constant 0 : i32
      %dma_start3A_76 = tpu.memref_slice %arg7[%mul3A_2, %dma_start3A_75] : memref<4096x128xf32, #tpu.memory_space<hbm>> -> memref<128x128xf32, #tpu.memory_space<hbm>>
      %dma_start3A_77 = arith.constant 0 : i32
      %dma_start3A_78 = tpu.memref_slice %arg7[%mul3A_2, %dma_start3A_77] : memref<4096x128xf32, #tpu.memory_space<hbm>> -> memref<128x128xf32, #tpu.memory_space<hbm>>
      tpu.enqueue_dma source(%arg11 : memref<128x128xf32, #tpu.memory_space<vmem>>) target(%dma_start3A_78 : memref<128x128xf32, #tpu.memory_space<hbm>>) target_semaphore(%run_scoped3A : memref<!tpu.dma_semaphore, #tpu.memory_space<semaphore_mem>>)
      %dma_wait3A_79 = arith.constant 0 : i32
      %dma_wait3A_80 = tpu.memref_slice %arg7[%mul3A_2, %dma_wait3A_79] : memref<4096x128xf32, #tpu.memory_space<hbm>> -> memref<128x128xf32, #tpu.memory_space<hbm>>
      %dma_wait3A_81 = arith.constant 0 : i32
      %dma_wait3A_82 = tpu.memref_slice %arg7[%mul3A_2, %dma_wait3A_81] : memref<4096x128xf32, #tpu.memory_space<hbm>> -> memref<128x128xf32, #tpu.memory_space<hbm>>
      tpu.wait_dma2 semaphore(%run_scoped3A : memref<!tpu.dma_semaphore, #tpu.memory_space<semaphore_mem>>) src(%arg11 : memref<128x128xf32, #tpu.memory_space<vmem>>) dst(%dma_wait3A_82 : memref<128x128xf32, #tpu.memory_space<hbm>>)
      tpu.yield
    }) : () -> ()
    return
  }
}

</mosaic_0001>

<sc_bundles>
// kernel: kernel.3.cloned.1.call-start
scs
__scs_entry_jumppad:
0x0: {  	(pc) =	sbr.rel $0x88, $3  }
0x1: {  	(tag) =	ssettag $0x0;
	lr =	simm.s32 $0x1  }
0x2: {  	[smem:$0x3F9C] =	sst lr;
	_ =	strace $0xD0000000  }
0x3: {  	_ = 	snop  }
0x4: {  	_ = 	snop  }
0x5: {  	_ = 	snop  }
0x6: {  	_ = 	snop  }
0x7: {  	_ = 	snop  }
__scs_overlays_trampoline_lowered:
0x8: {  	[smem:$0x3FAB] =	sst s0  }
0x9: {  	[smem:$0x3FAC] =	sst s1  }
0xa: {  	[smem:$0x3FAD] =	sst s2  }
0xb: {  	[smem:$0x3FAE] =	sst s3  }
0xc: {  	[smem:$0x3FAF] =	sst s4  }
0xd: {  	[smem:$0x3FB0] =	sst s5  }
0xe: {  	[smem:$0x3FB1] =	sst s6  }
0xf: {  	[smem:$0x3FB2] =	sst s7  }
0x10: {  	[smem:$0x3FB3] =	sst s8  }
0x11: {  	[smem:$0x3FB4] =	sst s9;
	s0 =	simm.s32 @!p0 $0x0  }
0x12: {  	s1 =	sld [smem:$0x3F9A];
	s0 =	simm.s32 @p0 $0x1  }
0x13: {  	[smem:$0x3FB5] =	sst s0;
	s0 =	simm.s32 @!p1 $0x0  }
0x14: {  	s2 =	sld [smem:$0x3F99];
	s0 =	simm.s32 @p1 $0x1  }
0x15: {  	[smem:$0x3FB6] =	sst s0;
	s0 =	simm.s32 @!p2 $0x0  }
0x16: {  	s3 =	sld [smem:$0x3FDB];
	s0 =	simm.s32 @p2 $0x1  }
0x17: {  	s4 =	simm.s32 $0x1BF5;
	[smem:$0x3FB8] =	sst s0  }
0x18: {  	s0 =	sld [smem:$0x3F9B];
	_ =	swait.ge [sflag:s4], $0x0  }
0x19: {  	s7 =	sld [smem:$0x3F9C]  }
0x1a: {  	s8 =	sadd.s32 $0xFFFFE003, lr  }
0x1b: {  	s9 =	sadd.s32 $0xFFFFFEF7, lr;
	s5 =	simm.s32 $0xFFFFFFFF;
	p2 =	slt.u32 s8, $0xFFFFF086  }
0x1c: {  	p1 =	slt.u32 s9, $0xF7A;
	s5 =	simm.s32 @!p2 $0x0  }
0x1d: {  	s5 =	simm.s32 @p1 $0x1;
	p0 =	seq.s32 s7, s2  }
0x1e: {  	s7 =	smul.u32 @!p0 $0xF7A, s2;
	p2 =	seq.s32 @!p0 s5, $0x0  }
0x1f: {  	s9 =	smul.u32 $0xF7A, s1;
	s8 =	simm.s32 @!p0 $0x1BF5;
	p2 =	por !p2, p0  }
0x20: {  	[sflag:s8] =	ssyncset.s32 @!p0 $0xFFFFF086;
	s6 =	sadd.s32 @!p0 s3, s7;
	s7 =	simm.s32 @!p0 $0x108  }
0x21: {  	s3 =	sadd.s32 s3, s9;
	s6 =	sadd.s32 @!p0 $0x88, s6;
	s7 =	simm.s32 @p2 $0x1082  }
0x22: {  	[simem:s7], [sflag:s8] =	dma.local @!p0 [hbm:s6], $0xF7A  }
0x23: {  	s9 =	sor.u32 $0xD0000000, s2;
	s6 =	simm.s32 $0x108;
	_ =	swait.ge @!p0 [sflag:s8], $0x0  }
0x24: {  	s3 =	sadd.s32 $0x88, s3;
	s6 =	simm.s32 @!p1 $0x1082;
	[sflag:s4] =	ssyncset.s32 $0xFFFFF086  }
0x25: {  	[simem:s6], [sflag:s4] =	dma.local [hbm:s3], $0xF7A  }
0x26: {  	[smem:$0x3F9C] =	sst s1;
	(tag) =	ssettag s2;
	_ =	strace s9  }
0x27: {  	s1 =	sld [smem:$0x3FAC]  }
0x28: {  	s2 =	sld [smem:$0x3FAD]  }
0x29: {  	s4 =	sld [smem:$0x3FAF]  }
0x2a: {  	p0 =	seq.s32 s5, $0x0;
	s5 =	sld [smem:$0x3FB0]  }
0x2b: {  	s6 =	sld [smem:$0x3FB1]  }
0x2c: {  	s7 =	sld [smem:$0x3FB2]  }
0x2d: {  	s3 =	simm.s32 $0x108;
	s8 =	sld [smem:$0x3FB3]  }
0x2e: {  	s3 =	simm.s32 @!p0 $0x1082;
	s9 =	sld [smem:$0x3FB4]  }
0x2f: {  	lr =	sadd.s32 s0, s3;
	s0 =	sld [smem:$0x3FAB]  }
0x30: {  	s3 =	sld [smem:$0x3FAE]  }
0x31: {  	[smem:$0x3FB7] =	sst s10  }
0x32: {  	s10 =	sld [smem:$0x3FB5];
	_ =	sdelay $0x3  }
0x33: {  	p0 =	seq.s32 s10, $0x1;
	s10 =	sld [smem:$0x3FB7];
	_ =	sdelay $0x3  }
0x34: {  	[smem:$0x3FB7] =	sst s10  }
0x35: {  	s10 =	sld [smem:$0x3FB6];
	_ =	sdelay $0x3  }
0x36: {  	p1 =	seq.s32 s10, $0x1;
	s10 =	sld [smem:$0x3FB7];
	_ =	sdelay $0x3  }
0x37: {  	[smem:$0x3FB7] =	sst s10  }
0x38: {  	s10 =	sld [smem:$0x3FB8]  }
0x39: {  	_ = 	snop;
	(pc) =	sbr.ind lr, $3  }
0x3a: {  	_ = 	snop  }
0x3b: {  	_ = 	snop  }
0x3c: {  	p2 =	seq.s32 s10, $0x1;
	s10 =	sld [smem:$0x3FB7]  }
0x3d: {  	_ =	shalt  }
0x3e: {  	_ =	shalt  }
0x3f: {  	_ =	shalt  }
0x40: {  	_ =	shalt  }
0x41: {  	_ =	shalt  }
0x42: {  	_ =	shalt  }
0x43: {  	_ =	shalt  }
0x44: {  	_ =	shalt  }
0x45: {  	_ =	shalt  }
0x46: {  	_ =	shalt  }
0x47: {  	_ =	shalt  }
0x48: {  	_ =	shalt  }
0x49: {  	_ =	shalt  }
0x4a: {  	_ =	shalt  }
0x4b: {  	_ =	shalt  }
0x4c: {  	_ =	shalt  }
0x4d: {  	_ =	shalt  }
0x4e: {  	_ =	shalt  }
0x4f: {  	_ =	shalt  }
0x50: {  	_ =	shalt  }
0x51: {  	_ =	shalt  }
0x52: {  	_ =	shalt  }
0x53: {  	_ =	shalt  }
0x54: {  	_ =	shalt  }
0x55: {  	_ =	shalt  }
0x56: {  	_ =	shalt  }
0x57: {  	_ =	shalt  }
0x58: {  	_ =	shalt  }
0x59: {  	_ =	shalt  }
0x5a: {  	_ =	shalt  }
0x5b: {  	_ =	shalt  }
0x5c: {  	_ =	shalt  }
0x5d: {  	_ =	shalt  }
0x5e: {  	_ =	shalt  }
0x5f: {  	_ =	shalt  }
0x60: {  	_ =	shalt  }
0x61: {  	_ =	shalt  }
0x62: {  	_ =	shalt  }
0x63: {  	_ =	shalt  }
0x64: {  	_ =	shalt  }
0x65: {  	_ =	shalt  }
0x66: {  	_ =	shalt  }
0x67: {  	_ =	shalt  }
0x68: {  	_ =	shalt  }
0x69: {  	_ =	shalt  }
0x6a: {  	_ =	shalt  }
0x6b: {  	_ =	shalt  }
0x6c: {  	_ =	shalt  }
0x6d: {  	_ =	shalt  }
0x6e: {  	_ =	shalt  }
0x6f: {  	_ =	shalt  }
0x70: {  	_ =	shalt  }
0x71: {  	_ =	shalt  }
0x72: {  	_ =	shalt  }
0x73: {  	_ =	shalt  }
0x74: {  	_ =	shalt  }
0x75: {  	_ =	shalt  }
0x76: {  	_ =	shalt  }
0x77: {  	_ =	shalt  }
0x78: {  	_ =	shalt  }
0x79: {  	_ =	shalt  }
0x7a: {  	_ =	shalt  }
0x7b: {  	_ =	shalt  }
0x7c: {  	_ =	shalt  }
0x7d: {  	_ =	shalt  }
0x7e: {  	_ =	shalt  }
0x7f: {  	_ =	shalt  }
0x80: {  	_ =	shalt  }
0x81: {  	_ =	shalt  }
0x82: {  	_ =	shalt  }
0x83: {  	_ =	shalt  }
0x84: {  	_ =	shalt  }
0x85: {  	_ =	shalt  }
0x86: {  	_ =	shalt  }
0x87: {  	_ =	shalt  }
.Lfunc_end0:
.L_simem_size_0:
called_computation_lowered:
.L_overlay_start_0:
0x88: {  	s2 =	sld [smem:$0x3FD9]  }
0x89: {  	s3 =	sld [smem:$0x3FFE];
	_ =	sdelay $0x1  }
0x8a: {  	s1 =	srdreg.scid  }
0x8b: {  	s0 =	sand.u32 $0x1, s1  }
0x8c: {  	s18 =	sshll.u32 s0, $0xA;
	s2 =	sadd.s32 s3, s2  }
0x8d: {  	s2 =	sadd.s32 s2, s18  }
0x8e: {  	[smem:$0x3FC3] =	sst s2  }
0x8f: {  	_ = 	snop  }
0x90: {  	s2 =	sld [smem:$0x3FC9]  }
0x91: {  	s19 =	sld [smem:$0x3FC8]  }
0x92: {  	s4 =	sld [smem:$0x3FC7]  }
0x93: {  	s5 =	sld [smem:$0x3FC6]  }
0x94: {  	s6 =	sld [smem:$0x3FC5]  }
0x95: {  	s7 =	sld [smem:$0x3FD0];
	(tm) =	ssettm $0x1  }
0x96: {  	s8 =	sld [smem:$0x3FFB];
	_ =	sdelay $0x3  }
0x97: {  	_ =	strace s8  }
0x98: {  	s8 =	sld [smem:$0x3FFC];
	_ =	sdelay $0x3  }
0x99: {  	_ =	strace s8  }
0x9a: {  	s8 =	sld [smem:$0x3FFD];
	_ =	sdelay $0x3  }
0x9b: {  	_ =	strace s8  }
0x9c: {  	_ =	strace $0x8FFFFFFF  }
0x9d: {  	s20 =	sld [smem:$0x3FDB];
	_ =	sdelay $0x1  }
0x9e: {  	s9 =	simm.s32 $_scs_section_size  }
0x9f: {  	s10 =	simm.s32 $_size__tile_overlayer_lowered;
	s11 =	simm.s32 $_tile_overlayer_lowered  }
0xa0: {  	s23 =	simm.s32 $0x1BFF;
	s22 =	sshll.u32 s11, $0x1;
	s8 =	sadd.s32 s9, s20  }
0xa1: {  	s12 =	simm.s32 $0x0;
	s21 =	sshll.u32 s10, $0x1;
	s10 =	sadd.s32 s22, s8  }
0xa2: {  	[timem:s12], [sflag:s23] =	dma.local [hbm:s10], s21  }
0xa3: {  	_ =	swait.ge [sflag:s23], s21  }
0xa4: {  	s9 =	ssub.s32 $0x0, s21;
	[sflag:s23] =	ssyncset.done $0x0  }
0xa5: {  	[sflag:s23] =	ssyncadd.s32 s9;
	_ =	sdelay $0x1  }
0xa6: {  	s24 =	simm.s32 $0x1B8B  }
0xa7: {  	_ =	swait.ge [sflag:s24], $0x1  }
0xa8: {  	[sflag:s24] =	ssyncset.done $0x0  }
0xa9: {  	s25 =	simm.s32 $0x1B8E;
	[sflag:s24] =	ssyncadd.s32 $0xFFFFFFFF  }
0xaa: {  	s26 =	simm.s32 $execute0_lowered;
	[smem:$0x3FD2] =	sst s25  }
0xab: {  	s9 =	sshll.u32 s26, $0x1;
	_ =	strace $0x80000046;
	[dreg:$0x1] =	wrdreg $0xFFFFFFFF  }
0xac: {  	s28 =	simm.s32 $_size_execute0_lowered;
	s8 =	sadd.s32 s8, s9;
	[dreg:$0x0] =	wrdreg $0x0  }
0xad: {  	s9 =	sshll.u32 s28, $0x1;
	[dreg:$0x2] =	wrdreg s8  }
0xae: {  	[dreg:$0x3] =	wrdreg s9  }
0xaf: {  	[dreg:$0x4] =	wrdreg $0xC0  }
0xb0: {  	_ =	task [dreg:s12], $0x5FFFF  }
0xb1: {  	[dreg:$0x1] =	wrdreg $0xFFFFFFFF  }
0xb2: {  	[dreg:$0x0] =	wrdreg $0x60  }
0xb3: {  	[dreg:$0x2] =	wrdreg s2  }
0xb4: {  	[dreg:$0x3] =	wrdreg s19  }
0xb5: {  	[dreg:$0x4] =	wrdreg s4  }
0xb6: {  	[dreg:$0x5] =	wrdreg s5  }
0xb7: {  	[dreg:$0x6] =	wrdreg s6  }
0xb8: {  	[dreg:$0x7] =	wrdreg s7  }
0xb9: {  	[dreg:$0x8] =	wrdreg $0x9  }
0xba: {  	_ =	task.clear_ibuf [dreg:s12], $0x9FFFF;
	_ =	strace $0x90000046  }
0xbb: {  	s29 =	simm.s32 $0x9;
	_ =	strace $0x80000048  }
0xbc: {  	_ =	swait.ge [sflag:s29], $0x1  }
0xbd: {  	[sflag:s29] =	ssyncadd.s32 $0xFFFFFFFF  }
0xbe: {  	_ =	strace $0x90000048  }
0xbf: {  	_ =	sfence  }
0xc0: {  	s30 =	sld [smem:$0x0];
	_ =	sdelay $0x2  }
0xc1: {  	s31 =	sshll.u32 s1, $0xD;
	s1 =	sshrl.u32 s1, $0x2  }
0xc2: {  	s3 =	sand.u32 $0x4000, s31;
	s1 =	sadd.s32 s1, s30  }
0xc3: {  	s0 =	sor.u32 s3, s0;
	s1 =	sshll.u32 s1, $0x11  }
0xc4: {  	s0 =	sor.u32 s1, s0  }
0xc5: {  	s0 =	sadd.s32 $0x8F2B, s0  }
0xc6: {  	[sflag:s0] =	ssyncadd.remote.s32 $0x1  }
0xc7: {  	_ =	sfence.sel $0xFFFF  }
0xc8: {  	[dreg:$0x0] =	wrdreg $0xFFFFFFFF;
	(pc) =	sbr.abs _section_cstart, $3  }
0xc9: {  	[dreg:$0x1] =	wrdreg $0xFFFFFFFF  }
0xca: {  	_ =	task.clear_ibuf [dreg:s12], $0x2FFFF;
	_ =	strace $0x9FFFFFFF  }
0xcb: {  	(tm) =	ssettm $0x7FFFFFFF  }
tec
execute0_lowered:
.L_overlay_start_1:
0x0: {  	(tag) =	ssettag $0x1  }
0x1: {  	s6 =	rddreg [dreg:$0x0]  }
0x2: {  	s0 =	rddreg [dreg:$0x1]  }
0x3: {  	s7 =	rddreg [dreg:$0x2]  }
0x4: {  	v0 =	vimm.s32 $0xEFCDAB89;
	s1 =	rddreg [dreg:$0x3]  }
0x5: {  	v1 =	vimm.s32 $0x67452301;
	v2 =	vimm.s32 $0xDCFE98BA;
	s3 =	rddreg [dreg:$0x4];
	v3 =	vimm.s32 $0x54761032  }
0x6: {  	s8 =	rddreg [dreg:$0x5];
	s5 =	srdreg.scid;
	v4 =	vimm.s32 $0xBA98FEDC;
	v5 =	vimm.s32 $0x32107654;
	v6 =	vimm.s32 $0xFEDCBA98  }
0x7: {  	s2 =	rddreg [dreg:$0x6];
	s4 =	stileid.u32;
	v7 =	vimm.s32 $0x76543210;
	s13 =	simm.s32 $0xC080;
	v0 =	vunpack.c.l.s4.s8 v0;
	v1 =	vunpack.c.l.s4.s8 v1  }
0x8: {  	s14 =	simm.s32 $0xC100;
	s15 =	simm.s32 $0x1;
	s16 =	simm.s32 $0x2;
	v2 =	vunpack.c.l.s4.s8 v2;
	v3 =	vunpack.c.l.s4.s8 v3;
	v4 =	vunpack.c.l.s4.s8 v4  }
0x9: {  	s17 =	simm.s32 $0x8080;
	s18 =	simm.s32 $0x0;
	s9 =	sand.u32 $0x1, s5;
	v5 =	vunpack.c.l.s4.s8 v5;
	v6 =	vunpack.c.l.s4.s8 v6;
	v7 =	vunpack.c.l.s4.s8 v7  }
0xa: {  	s5 =	simm.s32 $0x0;
	s10 =	sshll.u32 s4, $0x8;
	s11 =	sshll.u32 s9, $0x7;
	v0 =	vunpack.c.0.s8.s32 v0;
	v1 =	vunpack.c.0.s8.s32 v1;
	v2 =	vunpack.c.0.s8.s32 v2  }
0xb: {  	[smem:$0x7FF] =	sst s5;
	s9 =	ssub.s32 $0x2, s9;
	s10 =	sor.u32 s11, s10;
	v3 =	vunpack.c.0.s8.s32 v3;
	v4 =	vunpack.c.0.s8.s32 v4;
	v5 =	vunpack.c.0.s8.s32 v5  }
0xc: {  	_ =	strace $0x80000047;
	s31 =	sshrl.u32 s9, $0x1;
	s11 =	simm.s32 $0x80;
	v0 =	vcombine.low v1, v0;
	v1 =	vunpack.c.0.s8.s32 v6  }
0xd: {  	s12 =	sshrl.u32 s10, $0x3;
	s9 =	ssub.s32 s9, s31;
	s10 =	sshll.u32 s10, $0x4;
	v2 =	vcombine.low v3, v2;
	v3 =	vcombine.low v5, v4;
	v4 =	vunpack.c.0.s8.s32 v7  }
0xe: {  	s6 =	sadd.s32 s6, s12;
	s7 =	sadd.s32 s7, s10;
	s8 =	sadd.s32 s8, s10;
	v0 =	vand.u32 $0xF, v0;
	v5 =	vand.u32 $0xF, v1  }
0xf: {  	s9 =	smax.u32 s9, $0x1;
	s10 =	simm.s32 $0x3;
	s12 =	simm.s32 $0x4080;
	v1 =	vand.u32 $0xF, v2;
	v2 =	vand.u32 $0xF, v3;
	v3 =	vcombine.low v5, v4  }
.LBB2_1:
0x10: {  	[tilespmem:s5], [sflag:$0x3] =	stream.linear.gather [hbm4b:s6+s5], $0x80, $0x38;
	[tilespmem:$0xC180] =	vst v63  }
0x11: {  	_ =	swait.ge [sflag:s10], $0x80  }
0x12: {  	[sflag:s10] =	ssyncset.done $0x0  }
0x13: {  	[sflag:s10] =	ssyncadd.s32 $0xFFFFFF80  }
0x14: {  	[tilespmem:s11], [sflag:$0x2] =	stream.indirect.gather [hbm4b:s0+s11], $0x80, s5, s11, $0xb8;
	[tilespmem:$0xC180] =	vst v63  }
0x15: {  	_ = 	snop  }
0x16: {  	[tilespmem:s12], [sflag:$0x1] =	stream.linear.gather [hbm4b:s7+s5], $0x4000, $0x38;
	[tilespmem:$0xC180] =	vst v63  }
0x17: {  	_ = 	snop  }
0x18: {  	[tilespmem:s13], [sflag:$0x3] =	stream.linear.gather [hbm4b:s1+s5], $0x80, $0x38;
	[tilespmem:$0xC180] =	vst v63  }
0x19: {  	_ =	swait.ge [sflag:s10], $0x80  }
0x1a: {  	[sflag:s10] =	ssyncset.done $0x0  }
0x1b: {  	[sflag:s10] =	ssyncadd.s32 $0xFFFFFF80  }
0x1c: {  	[tilespmem:s14], [sflag:$0x3] =	stream.linear.gather [hbm4b:s3+s5], $0x80, $0x38;
	[tilespmem:$0xC180] =	vst v63  }
0x1d: {  	_ =	swait.ge [sflag:s10], $0x80  }
0x1e: {  	[sflag:s10] =	ssyncset.done $0x0  }
0x1f: {  	[sflag:s10] =	ssyncadd.s32 $0xFFFFFF80  }
0x20: {  	_ =	swait.ge [sflag:s15], $0x4000  }
0x21: {  	[sflag:s15] =	ssyncset.done $0x0  }
0x22: {  	[sflag:s15] =	ssyncadd.s32 $0xFFFFC000  }
0x23: {  	_ =	swait.ge [sflag:s16], $0x4000  }
0x24: {  	[sflag:s16] =	ssyncset.done $0x0  }
0x25: {  	s19 =	simm.s32 $0x0;
	[sflag:s16] =	ssyncadd.s32 $0xFFFFC000  }
0x26: {  	v4 =	vld [tilespmem:s19+$0x4090]  }
0x27: {  	v5 =	vld [tilespmem:s19+$0x40F0]  }
0x28: {  	v6 =	vld [tilespmem:s19+$0x40E0]  }
0x29: {  	v7 =	vld [tilespmem:s19+$0x40B0]  }
0x2a: {  	v8 =	vld [tilespmem:s19+$0x4080]  }
0x2b: {  	v9 =	vld [tilespmem:s19+$0x40A0]  }
0x2c: {  	v10 =	vld [tilespmem:s19+$0x40D0]  }
0x2d: {  	v11 =	vld [tilespmem:s19+$0x90]  }
0x2e: {  	v12 =	vld [tilespmem:s19+$0x80]  }
0x2f: {  	v13 =	vld [tilespmem:s19+$0xB0]  }
0x30: {  	v14 =	vld [tilespmem:s19+$0xA0]  }
0x31: {  	v15 =	vld [tilespmem:s19+$0xF0]  }
0x32: {  	v16 =	vld [tilespmem:s19+$0xE0]  }
0x33: {  	v17 =	vld [tilespmem:s19+$0xD0];
	_ =	sdelay $0x1  }
0x34: {  	v21 =	vld [tilespmem:s19+$0x40C0];
	v18 =	vadd.f32 v4, v11  }
0x35: {  	v20 =	vadd.f32 v8, v12;
	v8 =	vld [tilespmem:s19+$0xC0];
	v19 =	vadd.f32 v7, v13  }
0x36: {  	v4 =	vadd.f32 v5, v15;
	v22 =	vadd.f32 v9, v14  }
0x37: {  	v24 =	vadd.f32 v6, v16;
	v25 =	vadd.f32 v10, v17  }
0x38: {  	v7 =	vadd.f32 v18, v20;
	v5 =	vmul.f32 v20, v20;
	v6 =	vmul.f32 v18, v18  }
0x39: {  	v9 =	vadd.f32 v19, v22;
	v10 =	vadd.f32 v4, v24;
	v11 =	vmul.f32 v19, v19  }
0x3a: {  	v12 =	vmul.f32 v22, v22;
	v5 =	vadd.f32 v6, v5;
	v17 =	vadd.f32 v21, v8  }
0x3b: {  	v6 =	vadd.f32 v9, v7;
	v7 =	vmul.f32 v24, v24;
	v8 =	vmul.f32 v4, v4  }
0x3c: {  	v9 =	vmul.f32 v25, v25;
	v13 =	vadd.f32 v25, v17;
	v14 =	vmul.f32 v17, v17  }
0x3d: {  	v11 =	vadd.f32 v11, v12;
	v7 =	vadd.f32 v8, v7  }
0x3e: {  	v8 =	vadd.f32 v10, v13;
	v9 =	vadd.f32 v9, v14  }
0x3f: {  	v5 =	vadd.f32 v11, v5  }
0x40: {  	s20 =	simm.s32 $0x80;
	v6 =	vadd.f32 v8, v6;
	v7 =	vadd.f32 v7, v9  }
0x41: {  	v23 =	vld [tilespmem:s20+$0xB0]  }
0x42: {  	v26 =	vld [tilespmem:s20+$0xA0];
	v9 =	vperm.xlane v6, v0;
	v5 =	vadd.f32 v7, v5  }
0x43: {  	v27 =	vld [tilespmem:s20+$0xF0]  }
0x44: {  	v28 =	vld [tilespmem:s20+$0xE0];
	v6 =	vadd.f32 v6, v9;
	v9 =	vperm.xlane v5, v0  }
0x45: {  	v15 =	vld [tilespmem:s20+$0x90]  }
0x46: {  	v12 =	vld [tilespmem:s20+$0x40B0];
	v11 =	vperm.xlane v6, v1;
	v5 =	vadd.f32 v9, v5  }
0x47: {  	v21 =	vld [tilespmem:s20+$0x80]  }
0x48: {  	v10 =	vld [tilespmem:s20+$0x40E0];
	v6 =	vadd.f32 v6, v11;
	v11 =	vperm.xlane v5, v1  }
0x49: {  	v13 =	vld [tilespmem:s20+$0x4080]  }
0x4a: {  	v8 =	vld [tilespmem:s20+$0x4090];
	v16 =	vperm.xlane v6, v2;
	v5 =	vadd.f32 v11, v5  }
0x4b: {  	v7 =	vld [tilespmem:s20+$0x40F0]  }
0x4c: {  	v9 =	vld [tilespmem:s20+$0x40A0];
	v6 =	vadd.f32 v6, v16;
	v11 =	vperm.xlane v5, v2  }
0x4d: {  	v29 =	vld [tilespmem:s20+$0x40C0]  }
0x4e: {  	v30 =	vld [tilespmem:s20+$0xC0];
	v31 =	vadd.f32 v10, v28;
	v16 =	vperm.xlane v6, v3;
	v5 =	vadd.f32 v11, v5  }
0x4f: {  	v14 =	vld [tilespmem:s20+$0x40D0];
	v11 =	vadd.f32 v8, v15;
	v15 =	vadd.f32 v13, v21  }
0x50: {  	v8 =	vld [tilespmem:s20+$0xD0];
	v13 =	vadd.f32 v6, v16;
	v21 =	vperm.xlane v5, v3;
	v16 =	vadd.f32 v12, v23  }
0x51: {  	v6 =	vadd.f32 v7, v27;
	v23 =	vadd.f32 v9, v26  }
0x52: {  	v12 =	vadd.f32 v11, v15;
	v7 =	vmul.f32 v15, v15;
	v5 =	vadd.f32 v21, v5  }
0x53: {  	v26 =	vmul.f32 $7.812500000e-03, v13;
	v9 =	vadd.f32 v16, v23;
	v10 =	vadd.f32 v6, v31  }
0x54: {  	v27 =	vmul.f32 v23, v23;
	v13 =	vadd.f32 v29, v30;
	v30 =	vmul.f32 v6, v6  }
0x55: {  	v21 =	vadd.f32 v14, v8;
	v8 =	vmul.f32 v11, v11;
	v14 =	vmul.f32 v16, v16  }
0x56: {  	v32 =	vmul.f32 v26, v26;
	v9 =	vadd.f32 v9, v12;
	v12 =	vmul.f32 v31, v31  }
0x57: {  	s21 =	simm.s32 $0x100;
	v33 =	vmul.f32 v13, v13;
	v28 =	vadd.f32 v8, v7;
	v7 =	vmul.f32 $7.812500000e-03, v5  }
0x58: {  	v34 =	vld [tilespmem:s21+$0x4090];
	v29 =	vmul.f32 v21, v21;
	v27 =	vadd.f32 v14, v27;
	v14 =	vadd.f32 v21, v13  }
0x59: {  	v35 =	vld [tilespmem:s21+$0x40F0];
	v30 =	vadd.f32 v30, v12;
	v12 =	vsub.f32 v7, v32  }
0x5a: {  	v36 =	vld [tilespmem:s21+$0x40E0];
	v10 =	vadd.f32 v10, v14;
	v29 =	vadd.f32 v29, v33  }
0x5b: {  	v37 =	vld [tilespmem:s21+$0x40B0];
	v27 =	vadd.f32 v27, v28;
	v28 =	vadd.f32 $9.999999740e-06, v12  }
0x5c: {  	v57 =	vld [tilespmem:s21+$0x40A0];
	v29 =	vadd.f32 v30, v29  }
0x5d: {  	v42 =	vld [tilespmem:s21+$0xB0];
	v54 =	vadd.f32 v10, v9;
	v30 =	vshrl.u32 v28, $0x1;
	v28 =	vmul.f32 $-5.000000000e-01, v28  }
0x5e: {  	v60 =	vld [tilespmem:s21+$0xF0];
	v27 =	vadd.f32 v29, v27;
	v29 =	vsub.s32 $0x5F3759DF, v30  }
0x5f: {  	v46 =	vld [tilespmem:s21+$0xA0];
	v55 =	vperm.xlane v54, v0;
	v28 =	vmul.f32 v29, v28  }
0x60: {  	v62 =	vld [tilespmem:s21+$0xC0];
	v56 =	vperm.xlane v27, v0  }
0x61: {  	v8 =	vld [tilespmem:$0xC080];
	v30 =	vadd.f32 v54, v55;
	v28 =	vmul.f32 v29, v28  }
0x62: {  	v39 =	vsub.f32 $0.0e+00, v26;
	v14 =	vld [tilespmem:$0xC0B0];
	v27 =	vadd.f32 v56, v27  }
0x63: {  	v12 =	vld [tilespmem:$0xC0D0];
	v33 =	vperm.xlane v30, v1;
	v28 =	vadd.f32 $1.500000000e+00, v28  }
0x64: {  	v35 =	vadd.f32 v35, v60;
	v5 =	vld [tilespmem:$0xC090];
	v43 =	vadd.f32 v39, v22;
	v38 =	vperm.xlane v27, v1  }
0x65: {  	v40 =	vadd.f32 v39, v24;
	v7 =	vld [tilespmem:$0xC0A0];
	v33 =	vadd.f32 v30, v33;
	v30 =	vmul.f32 v29, v28  }
0x66: {  	v26 =	vld [tilespmem:s21+$0x4080];
	v20 =	vadd.f32 v39, v20;
	v27 =	vadd.f32 v38, v27  }
0x67: {  	v24 =	vld [tilespmem:s21+$0x90];
	v25 =	vadd.f32 v39, v25;
	v28 =	vperm.xlane v33, v2;
	v58 =	vmul.f32 v30, v14  }
0x68: {  	v29 =	vld [tilespmem:s21+$0x80];
	v38 =	vadd.f32 v57, v46;
	v41 =	vmul.f32 v30, v12;
	v59 =	vperm.xlane v27, v2  }
0x69: {  	v19 =	vadd.f32 v39, v19;
	v10 =	vld [tilespmem:$0xC130];
	v44 =	vmul.f32 v30, v8;
	v47 =	vmul.f32 v30, v5  }
0x6a: {  	v9 =	vld [tilespmem:$0xC150];
	v28 =	vadd.f32 v33, v28;
	v49 =	vmul.f32 v30, v7;
	v53 =	vmul.f32 v38, v38  }
0x6b: {  	v22 =	vld [tilespmem:s21+$0x40D0];
	v45 =	vadd.f32 v39, v18;
	v18 =	vmul.f32 v58, v19;
	v25 =	vmul.f32 v41, v25  }
0x6c: {  	v61 =	vperm.xlane v28, v3;
	v27 =	vadd.f32 v59, v27;
	v19 =	vadd.f32 v34, v24;
	v24 =	vld [tilespmem:s21+$0xE0]  }
0x6d: {  	v34 =	vadd.f32 v37, v42;
	v41 =	vmul.f32 v44, v20;
	v33 =	vadd.f32 v26, v29;
	v26 =	vld [tilespmem:s21+$0xD0]  }
0x6e: {  	v42 =	vmul.f32 v47, v45;
	v29 =	vld [tilespmem:s21+$0x40C0];
	v48 =	vadd.f32 v18, v10;
	v28 =	vadd.f32 v28, v61  }
0x6f: {  	v18 =	vperm.xlane v27, v3;
	v50 =	vadd.f32 v25, v9;
	v59 =	vmul.f32 v34, v34  }
0x70: {  	v61 =	vmul.f32 v35, v35;
	v20 =	vadd.f32 v19, v33;
	v51 =	vmul.f32 v33, v33  }
0x71: {  	v25 =	vld [tilespmem:$0xC100];
	v52 =	vadd.f32 v18, v27;
	v45 =	vmul.f32 $7.812500000e-03, v28;
	v28 =	vadd.f32 v34, v38  }
0x72: {  	v27 =	vld [tilespmem:$0xC0E0];
	v37 =	vadd.f32 v36, v24;
	v36 =	vadd.f32 v22, v26;
	v22 =	vmul.f32 v19, v19  }
0x73: {  	v24 =	vld [tilespmem:$0xC0F0];
	v52 =	vmul.f32 $7.812500000e-03, v52;
	v32 =	vadd.f32 v29, v62;
	v29 =	vadd.f32 v59, v53  }
0x74: {  	v18 =	vld [tilespmem:$0xC0C0];
	v54 =	vmul.f32 v45, v45;
	v60 =	vadd.f32 v28, v20;
	v63 =	vadd.f32 v35, v37  }
0x75: {  	v26 =	vld [tilespmem:$0xC110];
	v28 =	vmul.f32 v37, v37;
	v51 =	vadd.f32 v22, v51;
	v55 =	vmul.f32 v36, v36  }
0x76: {  	v20 =	vld [tilespmem:$0xC140];
	v56 =	vadd.f32 v36, v32;
	v57 =	vmul.f32 v32, v32;
	v52 =	vsub.f32 v52, v54  }
0x77: {  	v22 =	vld [tilespmem:$0xC120];
	v62 =	vmul.f32 v30, v27;
	v58 =	vadd.f32 v61, v28;
	v47 =	vadd.f32 v29, v51  }
0x78: {  	v29 =	vld [tilespmem:$0xC160];
	v44 =	vmul.f32 v30, v24;
	v63 =	vadd.f32 v63, v56;
	v55 =	vadd.f32 v55, v57  }
0x79: {  	v28 =	vld [tilespmem:$0xC170];
	[tilespmem:s19+$0x80B0] =	vst v48;
	v48 =	vadd.f32 $9.999999740e-06, v52;
	v46 =	vmul.f32 v62, v40;
	v40 =	vsub.f32 $0.0e+00, v45  }
0x7a: {  	s22 =	simm.s32 $0x600;
	[tilespmem:s19+$0x80D0] =	vst v50;
	v45 =	vmul.f32 v49, v43;
	v43 =	vadd.f32 v63, v60;
	v49 =	vadd.f32 v58, v55  }
.LBB2_2:
0x7b: {  	s23 =	sshra.s32 s22, $0x2;
	p0 =	sne.s32 s22, $0xFE00;
	s22 =	sadd.s32 $0x200, s22;
	v50 =	vshrl.u32 v48, $0x1;
	v48 =	vmul.f32 $-5.000000000e-01, v48;
	v41 =	vadd.f32 v41, v25  }
0x7c: {  	v51 =	vld [tilespmem:s23+$0x4090];
	v52 =	vperm.xlane v43, v0;
	v47 =	vadd.f32 v49, v47;
	v49 =	vsub.s32 $0x5F3759DF, v50  }
0x7d: {  	v50 =	vld [tilespmem:s23+$0x40F0];
	v48 =	vmul.f32 v49, v48;
	[tilespmem:s19+$0x8080] =	vst v41;
	v41 =	vadd.f32 v42, v26;
	v42 =	vadd.f32 v46, v29  }
0x7e: {  	v46 =	vld [tilespmem:s23+$0x40E0];
	v52 =	vadd.f32 v43, v52;
	v53 =	vperm.xlane v47, v0  }
0x7f: {  	v56 =	vadd.f32 v39, v4;
	v43 =	vadd.f32 v40, v23;
	v54 =	vld [tilespmem:s23+$0x40B0];
	v48 =	vmul.f32 v49, v48;
	[tilespmem:s19+$0x8090] =	vst v41  }
0x80: {  	v41 =	vld [tilespmem:s23+$0x4080];
	v57 =	vperm.xlane v52, v1;
	v47 =	vadd.f32 v53, v47;
	v53 =	vadd.f32 v40, v31;
	[tilespmem:s19+$0x80E0] =	vst v42  }
0x81: {  	v4 =	vmovc v6;
	v6 =	vmovc v35;
	v55 =	vld [tilespmem:s23+$0x40A0];
	v31 =	vadd.f32 $1.500000000e+00, v48;
	v48 =	vadd.f32 v39, v17;
	v17 =	vmul.f32 v44, v56  }
0x82: {  	v23 =	vmovc v38;
	v42 =	vadd.f32 v45, v22;
	v44 =	vld [tilespmem:s23+$0x40D0];
	v35 =	vadd.f32 v52, v57;
	v39 =	vperm.xlane v47, v1  }
0x83: {  	v38 =	vadd.f32 v40, v15;
	v15 =	vmovc v33;
	v45 =	vld [tilespmem:s23+$0x40C0];
	v49 =	vmul.f32 v49, v31;
	v17 =	vadd.f32 v17, v28  }
0x84: {  	v21 =	vadd.f32 v40, v21;
	v33 =	vld [tilespmem:s23+$0x90];
	v31 =	vperm.xlane v35, v2;
	v39 =	vadd.f32 v39, v47;
	[tilespmem:s19+$0x80A0] =	vst v42  }
0x85: {  	v52 =	vadd.f32 v40, v16;
	v42 =	vld [tilespmem:s23+$0x80];
	v47 =	vmul.f32 v49, v14;
	v56 =	vmul.f32 v49, v12;
	[tilespmem:s19+$0x80F0] =	vst v17  }
0x86: {  	v16 =	vmovc v34;
	v57 =	vld [tilespmem:s23+$0xB0];
	v17 =	vadd.f32 v35, v31;
	v61 =	vperm.xlane v39, v2;
	v35 =	vmul.f32 v49, v8  }
0x87: {  	v59 =	vadd.f32 v40, v11;
	v11 =	vmovc v19;
	v58 =	vld [tilespmem:s23+$0xA0];
	v34 =	vmul.f32 v47, v52;
	v47 =	vmul.f32 v56, v21  }
0x88: {  	v60 =	vmul.f32 v49, v5;
	v52 =	vld [tilespmem:s23+$0xF0];
	v56 =	vperm.xlane v17, v3;
	v39 =	vadd.f32 v61, v39;
	v31 =	vmovc v37  }
0x89: {  	v21 =	vmovc v36;
	v19 =	vadd.f32 v51, v33;
	v37 =	vld [tilespmem:s23+$0xE0];
	v51 =	vmul.f32 v49, v7;
	v34 =	vadd.f32 v34, v10  }
0x8a: {  	v33 =	vadd.f32 v41, v42;
	v36 =	vld [tilespmem:s23+$0xD0];
	v56 =	vadd.f32 v17, v56;
	v42 =	vperm.xlane v39, v3;
	v17 =	vmovc v13  }
0x8b: {  	v62 =	vmul.f32 v49, v27;
	v41 =	vmul.f32 v35, v38;
	v38 =	vadd.f32 v47, v9;
	v61 =	vld [tilespmem:s23+$0xC0];
	[tilespmem:s20+$0x80B0] =	vst v34  }
0x8c: {  	v13 =	vmovc v32;
	v34 =	vadd.f32 v54, v57;
	v47 =	vadd.f32 v19, v33;
	v54 =	vmul.f32 v33, v33  }
0x8d: {  	v32 =	vadd.f32 v42, v39;
	v42 =	vmul.f32 v60, v59;
	v35 =	vadd.f32 v50, v52;
	[tilespmem:s20+$0x80D0] =	vst v38  }
0x8e: {  	v39 =	vmovc v40;
	v38 =	vadd.f32 v55, v58;
	v50 =	vmul.f32 $7.812500000e-03, v56;
	v37 =	vadd.f32 v46, v37  }
0x8f: {  	v40 =	vmul.f32 v19, v19;
	v36 =	vadd.f32 v44, v36;
	v44 =	vmul.f32 v30, v18;
	v30 =	vmovc v49  }
0x90: {  	v52 =	vmul.f32 v34, v34;
	v46 =	vadd.f32 v34, v38;
	v49 =	vadd.f32 v35, v37  }
0x91: {  	v40 =	vadd.f32 v40, v54;
	v55 =	vmul.f32 v38, v38;
	v44 =	vmul.f32 v44, v48  }
0x92: {  	v54 =	vadd.f32 v46, v47;
	v46 =	vmul.f32 $7.812500000e-03, v32;
	v48 =	vmul.f32 v50, v50  }
0x93: {  	v32 =	vadd.f32 v45, v61;
	v45 =	vmul.f32 v36, v36;
	v47 =	vadd.f32 v52, v55  }
0x94: {  	v52 =	vmul.f32 v37, v37;
	v55 =	vmul.f32 v35, v35;
	v56 =	vadd.f32 v44, v20  }
.Ltmp0:
0x95: {  	v57 =	vadd.f32 v36, v32;
	v58 =	vmul.f32 v32, v32;
	v47 =	vadd.f32 v47, v40;
	(pc) =	sbr.rel @p0 .LBB2_2-.Ltmp0, $4  }
0x96: {  	v52 =	vadd.f32 v55, v52;
	v40 =	vsub.f32 v46, v48;
	v44 =	vmul.f32 v30, v24;
	[tilespmem:s19+$0x80C0] =	vst v56;
	s19 =	smov.u32 s20;
	s20 =	smov.u32 s21;
	s21 =	smov.u32 s23  }
0x97: {  	v46 =	vmul.f32 v62, v53;
	v49 =	vadd.f32 v49, v57;
	v55 =	vadd.f32 v45, v58  }
0x98: {  	v48 =	vadd.f32 $9.999999740e-06, v40;
	v40 =	vsub.f32 $0.0e+00, v50;
	v45 =	vmul.f32 v51, v43  }
0x99: {  	v43 =	vadd.f32 v49, v54;
	v49 =	vadd.f32 v52, v55  }
0x9a: {  	_ = 	snop  }
0x9b: {  	v50 =	vperm.xlane v43, v0;
	v47 =	vadd.f32 v49, v47;
	_ =	sdelay $0x1  }
0x9c: {  	v43 =	vadd.f32 v43, v50;
	v49 =	vperm.xlane v47, v0;
	_ =	sdelay $0x1  }
0x9d: {  	v50 =	vperm.xlane v43, v1;
	v47 =	vadd.f32 v49, v47;
	_ =	sdelay $0x1  }
0x9e: {  	v43 =	vadd.f32 v43, v50;
	v49 =	vperm.xlane v47, v1;
	_ =	sdelay $0x1  }
0x9f: {  	v50 =	vperm.xlane v43, v2;
	v47 =	vadd.f32 v49, v47  }
0xa0: {  	v61 =	vshrl.u32 v48, $0x1;
	v41 =	vadd.f32 v41, v25  }
0xa1: {  	v42 =	vadd.f32 v42, v26;
	v43 =	vadd.f32 v43, v50;
	v49 =	vperm.xlane v47, v2  }
0xa2: {  	v62 =	vmul.f32 $-5.000000000e-01, v48;
	v46 =	vadd.f32 v46, v29;
	v23 =	vadd.f32 v40, v23  }
0xa3: {  	v4 =	vadd.f32 v39, v4;
	v51 =	vperm.xlane v43, v3;
	v47 =	vadd.f32 v49, v47  }
0xa4: {  	v31 =	vadd.f32 v40, v31;
	v17 =	vadd.f32 v39, v17;
	v50 =	vsub.s32 $0x5F3759DF, v61  }
0xa5: {  	v48 =	vmul.f32 v50, v62;
	v43 =	vadd.f32 v43, v51;
	v49 =	vperm.xlane v47, v3  }
0xa6: {  	v52 =	vadd.f32 v45, v22;
	v15 =	vadd.f32 v40, v15  }
0xa7: {  	v48 =	vmul.f32 v50, v48;
	v47 =	vadd.f32 v49, v47;
	v43 =	vmul.f32 $7.812500000e-03, v43  }
0xa8: {  	v16 =	vadd.f32 v40, v16;
	v21 =	vadd.f32 v40, v21;
	v30 =	vmul.f32 v30, v18  }
0xa9: {  	v48 =	vadd.f32 $1.500000000e+00, v48;
	v47 =	vmul.f32 $7.812500000e-03, v47;
	v63 =	vmul.f32 v43, v43  }
0xaa: {  	v11 =	vadd.f32 v40, v11;
	v6 =	vadd.f32 v40, v6;
	v4 =	vmul.f32 v44, v4  }
0xab: {  	v17 =	vmul.f32 v30, v17;
	v39 =	vmul.f32 v50, v48;
	v53 =	vsub.f32 v47, v63  }
0xac: {  	v13 =	vadd.f32 v40, v13;
	v4 =	vadd.f32 v4, v28  }
0xad: {  	v17 =	vadd.f32 v17, v20;
	v54 =	vmul.f32 v39, v14;
	v45 =	vadd.f32 $9.999999740e-06, v53  }
0xae: {  	v60 =	vsub.f32 $0.0e+00, v43;
	v48 =	vmul.f32 v39, v12;
	v55 =	vmul.f32 v39, v8  }
0xaf: {  	v57 =	vmul.f32 v39, v5;
	v56 =	vshrl.u32 v45, $0x1;
	v45 =	vmul.f32 $-5.000000000e-01, v45  }
0xb0: {  	v58 =	vmul.f32 v39, v27;
	v61 =	vmul.f32 v39, v7;
	v47 =	vsub.s32 $0x5F3759DF, v56  }
0xb1: {  	[tilespmem:s19+$0x80F0] =	vst v4;
	v4 =	vadd.f32 v60, v38;
	v38 =	vadd.f32 v60, v37;
	v45 =	vmul.f32 v47, v45  }
0xb2: {  	[tilespmem:s19+$0x8080] =	vst v41;
	v62 =	vmul.f32 v39, v24;
	v43 =	vadd.f32 v60, v34;
	v44 =	vadd.f32 v60, v36  }
0xb3: {  	[tilespmem:s19+$0x80E0] =	vst v46;
	v46 =	vadd.f32 v60, v33;
	v16 =	vmul.f32 v54, v16;
	v59 =	vmul.f32 v47, v45  }
0xb4: {  	[tilespmem:s19+$0x8090] =	vst v42;
	v50 =	vadd.f32 v60, v19;
	v21 =	vmul.f32 v48, v21;
	v15 =	vmul.f32 v55, v15  }
0xb5: {  	[tilespmem:s19+$0x80A0] =	vst v52;
	v11 =	vmul.f32 v57, v11;
	v16 =	vadd.f32 v16, v10;
	v30 =	vadd.f32 $1.500000000e+00, v59  }
0xb6: {  	[tilespmem:s19+$0x80C0] =	vst v17;
	v31 =	vmul.f32 v58, v31;
	v63 =	vmul.f32 v61, v23;
	v21 =	vadd.f32 v21, v9  }
0xb7: {  	v6 =	vmul.f32 v62, v6;
	v15 =	vadd.f32 v15, v25;
	[tilespmem:s20+$0x80B0] =	vst v16;
	v30 =	vmul.f32 v47, v30  }
0xb8: {  	v49 =	vmul.f32 v39, v18;
	v11 =	vadd.f32 v11, v26;
	v31 =	vadd.f32 v31, v29;
	[tilespmem:s20+$0x80D0] =	vst v21  }
0xb9: {  	v6 =	vadd.f32 v6, v28;
	v16 =	vadd.f32 v63, v22;
	[tilespmem:s20+$0x8080] =	vst v15;
	v42 =	vmul.f32 v30, v14  }
0xba: {  	[tilespmem:s20+$0x8090] =	vst v11;
	v59 =	vadd.f32 v60, v35;
	v45 =	vmul.f32 v30, v12;
	v12 =	vmul.f32 v49, v13  }
0xbb: {  	[tilespmem:s20+$0x80E0] =	vst v31;
	v60 =	vadd.f32 v60, v32;
	v47 =	vmul.f32 v30, v8;
	v14 =	vmul.f32 v42, v43  }
0xbc: {  	[tilespmem:s20+$0x80F0] =	vst v6;
	v5 =	vmul.f32 v30, v5;
	v48 =	vmul.f32 v45, v44;
	v56 =	vadd.f32 v12, v20  }
0xbd: {  	[tilespmem:s20+$0x80A0] =	vst v16;
	v53 =	vmul.f32 v30, v27;
	v54 =	vmul.f32 v47, v46;
	v52 =	vadd.f32 v14, v10  }
0xbe: {  	v51 =	vmul.f32 v30, v7;
	v5 =	vmul.f32 v5, v50;
	v55 =	vadd.f32 v48, v9;
	[tilespmem:s20+$0x80C0] =	vst v56  }
0xbf: {  	v57 =	vmul.f32 v30, v24;
	v58 =	vmul.f32 v53, v38;
	v6 =	vadd.f32 v54, v25;
	[tilespmem:s21+$0x80B0] =	vst v52  }
0xc0: {  	v61 =	vmul.f32 v30, v18;
	v4 =	vmul.f32 v51, v4;
	v5 =	vadd.f32 v5, v26;
	[tilespmem:s21+$0x80D0] =	vst v55  }
0xc1: {  	v7 =	vmul.f32 v57, v59;
	v62 =	vadd.f32 v58, v29;
	[tilespmem:s21+$0x8080] =	vst v6  }
0xc2: {  	v4 =	vadd.f32 v4, v22;
	[tilespmem:s21+$0x8090] =	vst v5;
	v5 =	vmul.f32 v61, v60  }
0xc3: {  	v63 =	vadd.f32 v7, v28;
	[tilespmem:s21+$0x80E0] =	vst v62  }
0xc4: {  	s18 =	sadd.s32 $0x1, s18;
	[tilespmem:s21+$0x80A0] =	vst v4;
	v4 =	vadd.f32 v5, v20  }
0xc5: {  	p0 =	sne.s32 s18, s9;
	[tilespmem:s21+$0x80F0] =	vst v63  }
.Ltmp1:
0xc6: {  	[tilespmem:s21+$0x80C0] =	vst v4;
	(pc) =	sbr.rel @p0 .LBB2_1-.Ltmp1, $4  }
0xc7: {  	[hbm4b:s8+s5] =	stream.linear.scatter [tilespmem:s17], [sflag:$0x3], $0x4000, $0x38;
	[tilespmem:$0xC180] =	vst v63  }
0xc8: {  	_ =	swait.ge [sflag:s10], $0x4000  }
0xc9: {  	[sflag:s10] =	ssyncset.done $0x0  }
0xca: {  	[sflag:s10] =	ssyncadd.s32 $0xFFFFC000  }
0xcb: {  	_ =	sfence.sel $0x180000  }
0xcc: {  	[bflag:$0x0] =	sbarrier.arrive $0xFFFF  }
0xcd: {  	p0 =	sne.s32 s4, $0x0;
	_ =	strace $0x90000047  }
0xce: {  	s0 =	sadd.s32 @!p0 $0x100000, s2;
	[bflag:$0x2] =	sbarrier.arrive $0xFFFF  }
0xcf: {  	[sflag:s0] =	ssyncadd.tile.s32 @!p0 $0x1;
	_ =	shalt  }
.Lfunc_end2:
_tile_overlayer_lowered:
.L_overlay_start_2:
0xd0: {  	(tag) =	ssettag $0x2  }
0xd1: {  	s0 =	rddreg [dreg:$0x0];
	s2 =	stileid.u32  }
0xd2: {  	s1 =	rddreg [dreg:$0x1];
	p0 =	sne.s32 s2, $0x0  }
0xd3: {  	s3 =	rddreg [dreg:$0x2];
	[bflag:$0x3] =	sbarrier.arrive $0xFFFF;
	s2 =	simm.s32 @!p0 $0x1C03  }
0xd4: {  	[timem:s3], [sflag:s2] =	dma.local @!p0 [hbm:s0], s1  }
0xd5: {  	s0 =	simm.s32 @!p0 $0x3  }
0xd6: {  	_ =	swait.ge @!p0 [sflag:s0], s1  }
0xd7: {  	s1 =	ssub.s32 @!p0 $0x0, s1;
	[sflag:s0] =	ssyncset.done @!p0 $0x0  }
0xd8: {  	[sflag:s0] =	ssyncadd.s32 @!p0 s1  }
0xd9: {  	[bflag:$0x3] =	sbarrier.arrive $0xFFFF  }
0xda: {  	_ =	shalt  }

</sc_bundles>
